<compile_context>
chip_gen: v7x
topology: tpu7x:2x2x1
jax: 0.10.2.dev20260603
libtpu: 0.0.44.dev20260713+nightly
codegen_flags: <defaults>
</compile_context>

<pallas_src>
import functools

import jax
import jax.numpy as jnp
from jax import lax
from jax.experimental import pallas as pl
from jax.experimental.pallas import tpu as pltpu, tpu_sc as plsc

_SCALE = 10 - 0.0001
_N = 4194304
_NW = 32
_PER_W = _N // _NW
_C = 8192
_CHUNKS = _PER_W // _C
_NB = 4
_L = 16
_UNROLL = 8


def _sc_body(x_hbm, t_hbm, o_hbm, xbufs, tbufs, obufs, sxs, sts, sos):
    wid = lax.axis_index("s") * 2 + lax.axis_index("c")
    base = wid * _PER_W

    def start_in(c, b):
        off = base + c * _C
        pltpu.async_copy(x_hbm.at[pl.ds(off, _C)], xbufs[b], sxs[b])
        pltpu.async_copy(t_hbm.at[pl.ds(off, _C)], tbufs[b], sts[b])

    for b in range(_NB):
        start_in(b, b)

    @pl.loop(0, _CHUNKS // _NB)
    def _chunks(g):
        for b in range(_NB):
            c = g * _NB + b
            xb, tb, ob = xbufs[b], tbufs[b], obufs[b]
            pltpu.make_async_copy(x_hbm.at[pl.ds(0, _C)], xb, sxs[b]).wait()
            pltpu.make_async_copy(t_hbm.at[pl.ds(0, _C)], tb, sts[b]).wait()
            @pl.when(g >= 1)
            def _():
                pltpu.make_async_copy(
                    ob, o_hbm.at[pl.ds(base, _C)], sos[b]).wait()

            @plsc.parallel_loop(0, _C, step=_L, unroll=_UNROLL)
            def _compute(s):
                xv = xb[pl.ds(s, _L)]
                tv = tb[pl.ds(s, _L)]
                ob[pl.ds(s, _L)] = (xv + tv).astype(jnp.int32)

            pltpu.async_copy(ob, o_hbm.at[pl.ds(base + c * _C, _C)], sos[b])
            @pl.when(c + _NB < _CHUNKS)
            def _():
                start_in(c + _NB, b)

    for b in range(_NB):
        pltpu.make_async_copy(obufs[b], o_hbm.at[pl.ds(base, _C)],
                              sos[b]).wait()


@jax.jit
def kernel(x, target):
    mesh = plsc.VectorSubcoreMesh(core_axis_name="c", subcore_axis_name="s")
    run = functools.partial(
        pl.kernel,
        mesh=mesh,
        out_type=jax.ShapeDtypeStruct((_N,), jnp.int32),
        scratch_types=[
            [pltpu.VMEM((_C,), jnp.float32) for _ in range(_NB)],
            [pltpu.VMEM((_C,), jnp.float32) for _ in range(_NB)],
            [pltpu.VMEM((_C,), jnp.int32) for _ in range(_NB)],
            [pltpu.SemaphoreType.DMA for _ in range(_NB)],
            [pltpu.SemaphoreType.DMA for _ in range(_NB)],
            [pltpu.SemaphoreType.DMA for _ in range(_NB)],
        ],
    )(_sc_body)
    return run(x, target)

# --- scband reference (transcript-rebuilt; emitter-appended) ---
"""Pipeline reference for scband-ghmloss-48275432407230 (READ-ONLY COPY).

The authoritative reference and input builder live on the scoring server;
editing this copy changes nothing except your own understanding.
"""

import jax, jax.numpy as jnp
import numpy as np

# GHMLoss as written is abstract: bins is None and _custom_loss_grad raises
# NotImplementedError. To make it executable we use the canonical GHM-C
# concretization (Li et al. 2019): bins=10 and
# _custom_loss_grad(x, target) = sigmoid(x) - target (gradient of BCE-with-logits).
BINS = 10

def setup_inputs(seed: int = 0) -> dict:
    key = jax.random.key(seed)
    k1, k2 = jax.random.split(key)
    x = jax.random.normal(k1, (4194304,), dtype=jnp.float32)
    target = jax.random.uniform(k2, (4194304,), dtype=jnp.float32)
    return {"x": x, "target": target}

def reference(x, target):
    # g = |d loss / d x| = |sigmoid(x) - target|
    g = jnp.abs(jax.nn.sigmoid(x) - target)
    # _g2bin: floor(g * (bins - 0.0001)).long()
    bin_idx = jnp.floor(g * (BINS - 0.0001)).astype(jnp.int32)
    return bin_idx

if __name__ == "__main__":
    import jax
    _d = setup_inputs()
    print(jax.jit(kernel)(*tuple(_d.values())))

</pallas_src>

<mosaic_0001>
#map = affine_map<(d0, d1) -> (0)>
module attributes {stable_mosaic.version = 14 : i64} {
  func.func @_sc_body(%arg0: i32, %arg1: i32, %arg2: memref<4194304xf32, #tpu.memory_space<hbm>>, %arg3: memref<4194304xf32, #tpu.memory_space<hbm>>, %arg4: memref<4194304xi32, #tpu.memory_space<hbm>>, %arg5: memref<8192xf32, #tpu.memory_space<vmem>>, %arg6: memref<8192xf32, #tpu.memory_space<vmem>>, %arg7: memref<8192xf32, #tpu.memory_space<vmem>>, %arg8: memref<8192xf32, #tpu.memory_space<vmem>>, %arg9: memref<8192xf32, #tpu.memory_space<vmem>>, %arg10: memref<8192xf32, #tpu.memory_space<vmem>>, %arg11: memref<8192xf32, #tpu.memory_space<vmem>>, %arg12: memref<8192xf32, #tpu.memory_space<vmem>>, %arg13: memref<8192xi32, #tpu.memory_space<vmem>>, %arg14: memref<8192xi32, #tpu.memory_space<vmem>>, %arg15: memref<8192xi32, #tpu.memory_space<vmem>>, %arg16: memref<8192xi32, #tpu.memory_space<vmem>>, %arg17: memref<!tpu.dma_semaphore, #tpu.memory_space<semaphore_mem>>, %arg18: memref<!tpu.dma_semaphore, #tpu.memory_space<semaphore_mem>>, %arg19: memref<!tpu.dma_semaphore, #tpu.memory_space<semaphore_mem>>, %arg20: memref<!tpu.dma_semaphore, #tpu.memory_space<semaphore_mem>>, %arg21: memref<!tpu.dma_semaphore, #tpu.memory_space<semaphore_mem>>, %arg22: memref<!tpu.dma_semaphore, #tpu.memory_space<semaphore_mem>>, %arg23: memref<!tpu.dma_semaphore, #tpu.memory_space<semaphore_mem>>, %arg24: memref<!tpu.dma_semaphore, #tpu.memory_space<semaphore_mem>>, %arg25: memref<!tpu.dma_semaphore, #tpu.memory_space<semaphore_mem>>, %arg26: memref<!tpu.dma_semaphore, #tpu.memory_space<semaphore_mem>>, %arg27: memref<!tpu.dma_semaphore, #tpu.memory_space<semaphore_mem>>, %arg28: memref<!tpu.dma_semaphore, #tpu.memory_space<semaphore_mem>>) attributes {dimension_semantics = [#tpu.dimension_semantics<core_parallel>, #tpu.dimension_semantics<subcore_parallel>], iteration_bounds = array<i64: 2, 16>, scalar_prefetch = 0 : i64, scratch_operands = 24 : i64, tpu.core_type = #tpu.core_type<sc_vector_subcore>, window_params = [{transform_indices = #map}, {transform_indices = #map}, {transform_indices = #map}]} {
    %mul3A = arith.constant 2 : i32
    %mul3A_0 = arith.muli %arg1, %mul3A : i32
    %add3A = arith.addi %mul3A_0, %arg0 : i32
    %mul3A_1 = arith.constant 131072 : i32
    %mul3A_2 = arith.muli %add3A, %mul3A_1 : i32
    %add3A_3 = arith.constant 0 : i32
    %add3A_4 = arith.addi %mul3A_2, %add3A_3 : i32
    %dma_start3A = tpu.memref_slice %arg2[%add3A_4] : memref<4194304xf32, #tpu.memory_space<hbm>> -> memref<8192xf32, #tpu.memory_space<hbm>>
    %dma_start3A_5 = tpu.memref_slice %arg2[%add3A_4] : memref<4194304xf32, #tpu.memory_space<hbm>> -> memref<8192xf32, #tpu.memory_space<hbm>>
    tpu.enqueue_dma source(%dma_start3A_5 : memref<8192xf32, #tpu.memory_space<hbm>>) target(%arg5 : memref<8192xf32, #tpu.memory_space<vmem>>) target_semaphore(%arg17 : memref<!tpu.dma_semaphore, #tpu.memory_space<semaphore_mem>>)
    %dma_start3A_6 = tpu.memref_slice %arg3[%add3A_4] : memref<4194304xf32, #tpu.memory_space<hbm>> -> memref<8192xf32, #tpu.memory_space<hbm>>
    %dma_start3A_7 = tpu.memref_slice %arg3[%add3A_4] : memref<4194304xf32, #tpu.memory_space<hbm>> -> memref<8192xf32, #tpu.memory_space<hbm>>
    tpu.enqueue_dma source(%dma_start3A_7 : memref<8192xf32, #tpu.memory_space<hbm>>) target(%arg9 : memref<8192xf32, #tpu.memory_space<vmem>>) target_semaphore(%arg21 : memref<!tpu.dma_semaphore, #tpu.memory_space<semaphore_mem>>)
    %add3A_8 = arith.constant 8192 : i32
    %add3A_9 = arith.addi %mul3A_2, %add3A_8 : i32
    %dma_start3A_10 = tpu.memref_slice %arg2[%add3A_9] : memref<4194304xf32, #tpu.memory_space<hbm>> -> memref<8192xf32, #tpu.memory_space<hbm>>
    %dma_start3A_11 = tpu.memref_slice %arg2[%add3A_9] : memref<4194304xf32, #tpu.memory_space<hbm>> -> memref<8192xf32, #tpu.memory_space<hbm>>
    tpu.enqueue_dma source(%dma_start3A_11 : memref<8192xf32, #tpu.memory_space<hbm>>) target(%arg6 : memref<8192xf32, #tpu.memory_space<vmem>>) target_semaphore(%arg18 : memref<!tpu.dma_semaphore, #tpu.memory_space<semaphore_mem>>)
    %dma_start3A_12 = tpu.memref_slice %arg3[%add3A_9] : memref<4194304xf32, #tpu.memory_space<hbm>> -> memref<8192xf32, #tpu.memory_space<hbm>>
    %dma_start3A_13 = tpu.memref_slice %arg3[%add3A_9] : memref<4194304xf32, #tpu.memory_space<hbm>> -> memref<8192xf32, #tpu.memory_space<hbm>>
    tpu.enqueue_dma source(%dma_start3A_13 : memref<8192xf32, #tpu.memory_space<hbm>>) target(%arg10 : memref<8192xf32, #tpu.memory_space<vmem>>) target_semaphore(%arg22 : memref<!tpu.dma_semaphore, #tpu.memory_space<semaphore_mem>>)
    %add3A_14 = arith.constant 16384 : i32
    %add3A_15 = arith.addi %mul3A_2, %add3A_14 : i32
    %dma_start3A_16 = tpu.memref_slice %arg2[%add3A_15] : memref<4194304xf32, #tpu.memory_space<hbm>> -> memref<8192xf32, #tpu.memory_space<hbm>>
    %dma_start3A_17 = tpu.memref_slice %arg2[%add3A_15] : memref<4194304xf32, #tpu.memory_space<hbm>> -> memref<8192xf32, #tpu.memory_space<hbm>>
    tpu.enqueue_dma source(%dma_start3A_17 : memref<8192xf32, #tpu.memory_space<hbm>>) target(%arg7 : memref<8192xf32, #tpu.memory_space<vmem>>) target_semaphore(%arg19 : memref<!tpu.dma_semaphore, #tpu.memory_space<semaphore_mem>>)
    %dma_start3A_18 = tpu.memref_slice %arg3[%add3A_15] : memref<4194304xf32, #tpu.memory_space<hbm>> -> memref<8192xf32, #tpu.memory_space<hbm>>
    %dma_start3A_19 = tpu.memref_slice %arg3[%add3A_15] : memref<4194304xf32, #tpu.memory_space<hbm>> -> memref<8192xf32, #tpu.memory_space<hbm>>
    tpu.enqueue_dma source(%dma_start3A_19 : memref<8192xf32, #tpu.memory_space<hbm>>) target(%arg11 : memref<8192xf32, #tpu.memory_space<vmem>>) target_semaphore(%arg23 : memref<!tpu.dma_semaphore, #tpu.memory_space<semaphore_mem>>)
    %add3A_20 = arith.constant 24576 : i32
    %add3A_21 = arith.addi %mul3A_2, %add3A_20 : i32
    %dma_start3A_22 = tpu.memref_slice %arg2[%add3A_21] : memref<4194304xf32, #tpu.memory_space<hbm>> -> memref<8192xf32, #tpu.memory_space<hbm>>
    %dma_start3A_23 = tpu.memref_slice %arg2[%add3A_21] : memref<4194304xf32, #tpu.memory_space<hbm>> -> memref<8192xf32, #tpu.memory_space<hbm>>
    tpu.enqueue_dma source(%dma_start3A_23 : memref<8192xf32, #tpu.memory_space<hbm>>) target(%arg8 : memref<8192xf32, #tpu.memory_space<vmem>>) target_semaphore(%arg20 : memref<!tpu.dma_semaphore, #tpu.memory_space<semaphore_mem>>)
    %dma_start3A_24 = tpu.memref_slice %arg3[%add3A_21] : memref<4194304xf32, #tpu.memory_space<hbm>> -> memref<8192xf32, #tpu.memory_space<hbm>>
    %dma_start3A_25 = tpu.memref_slice %arg3[%add3A_21] : memref<4194304xf32, #tpu.memory_space<hbm>> -> memref<8192xf32, #tpu.memory_space<hbm>>
    tpu.enqueue_dma source(%dma_start3A_25 : memref<8192xf32, #tpu.memory_space<hbm>>) target(%arg12 : memref<8192xf32, #tpu.memory_space<vmem>>) target_semaphore(%arg24 : memref<!tpu.dma_semaphore, #tpu.memory_space<semaphore_mem>>)
    %scan3A = arith.constant 0 : i32
    %scan3A_26 = arith.constant 4 : i32
    %scan3A_27 = arith.addi %scan3A, %scan3A_26 : i32
    %scan3A_28 = arith.constant 1 : i32
    scf.for %scan3A_37 = %scan3A to %scan3A_27 step %scan3A_28  : i32 {
      %mul3A_38 = arith.constant 1 : i32
      %mul3A_39 = arith.muli %scan3A_37, %mul3A_38 : i32
      %add3A_40 = arith.constant 0 : i32
      %add3A_41 = arith.addi %add3A_40, %mul3A_39 : i32
      %mul3A_42 = arith.constant 4 : i32
      %mul3A_43 = arith.muli %add3A_41, %mul3A_42 : i32
      %add3A_44 = arith.constant 0 : i32
      %add3A_45 = arith.addi %mul3A_43, %add3A_44 : i32
      %dma_wait3A_46 = arith.constant 0 : i32
      %dma_wait3A_47 = tpu.memref_slice %arg2[%dma_wait3A_46] : memref<4194304xf32, #tpu.memory_space<hbm>> -> memref<8192xf32, #tpu.memory_space<hbm>>
      %dma_wait3A_48 = arith.constant 0 : i32
      %dma_wait3A_49 = tpu.memref_slice %arg2[%dma_wait3A_48] : memref<4194304xf32, #tpu.memory_space<hbm>> -> memref<8192xf32, #tpu.memory_space<hbm>>
      tpu.wait_dma2 semaphore(%arg17 : memref<!tpu.dma_semaphore, #tpu.memory_space<semaphore_mem>>) src(%dma_wait3A_49 : memref<8192xf32, #tpu.memory_space<hbm>>) dst(%arg5 : memref<8192xf32, #tpu.memory_space<vmem>>)
      %dma_wait3A_50 = arith.constant 0 : i32
      %dma_wait3A_51 = tpu.memref_slice %arg3[%dma_wait3A_50] : memref<4194304xf32, #tpu.memory_space<hbm>> -> memref<8192xf32, #tpu.memory_space<hbm>>
      %dma_wait3A_52 = arith.constant 0 : i32
      %dma_wait3A_53 = tpu.memref_slice %arg3[%dma_wait3A_52] : memref<4194304xf32, #tpu.memory_space<hbm>> -> memref<8192xf32, #tpu.memory_space<hbm>>
      tpu.wait_dma2 semaphore(%arg21 : memref<!tpu.dma_semaphore, #tpu.memory_space<semaphore_mem>>) src(%dma_wait3A_53 : memref<8192xf32, #tpu.memory_space<hbm>>) dst(%arg9 : memref<8192xf32, #tpu.memory_space<vmem>>)
      %ge3A = arith.constant 1 : i32
      %ge3A_54 = arith.cmpi sge, %add3A_41, %ge3A : i32
      %convert_element_type3A = arith.extui %ge3A_54 : i1 to i32
      %cond3A = arith.constant 0 : i32
      %cond3A_55 = arith.cmpi ne, %convert_element_type3A, %cond3A : i32
      scf.if %cond3A_55 {
        %dma_wait3A_165 = tpu.memref_slice %arg4[%mul3A_2] : memref<4194304xi32, #tpu.memory_space<hbm>> -> memref<8192xi32, #tpu.memory_space<hbm>>
        %dma_wait3A_166 = tpu.memref_slice %arg4[%mul3A_2] : memref<4194304xi32, #tpu.memory_space<hbm>> -> memref<8192xi32, #tpu.memory_space<hbm>>
        tpu.wait_dma2 semaphore(%arg25 : memref<!tpu.dma_semaphore, #tpu.memory_space<semaphore_mem>>) src(%arg13 : memref<8192xi32, #tpu.memory_space<vmem>>) dst(%dma_wait3A_166 : memref<8192xi32, #tpu.memory_space<hbm>>)
      } else {
      }
      %parallel_loop3A = arith.constant 0 : i32
      %parallel_loop3A_56 = arith.constant 8192 : i32
      %parallel_loop3A_57 = arith.constant 16 : i32
      scf.for %parallel_loop3A_165 = %parallel_loop3A to %parallel_loop3A_56 step %parallel_loop3A_57  : i32 {
        %parallel_loop3A_166 = arith.index_cast %parallel_loop3A_165 : i32 to index
        %parallel_loop3A_167 = tpu.vector_load %arg5[%parallel_loop3A_166] {strides = array<i32>} : memref<8192xf32, #tpu.memory_space<vmem>>, vector<16xf32>,
        %parallel_loop3A_168 = vector.shape_cast %parallel_loop3A_167 : vector<16xf32> to vector<16xf32>
        %parallel_loop3A_169 = arith.index_cast %parallel_loop3A_165 : i32 to index
        %parallel_loop3A_170 = tpu.vector_load %arg9[%parallel_loop3A_169] {strides = array<i32>} : memref<8192xf32, #tpu.memory_space<vmem>>, vector<16xf32>,
        %parallel_loop3A_171 = vector.shape_cast %parallel_loop3A_170 : vector<16xf32> to vector<16xf32>
        %parallel_loop3A_172 = arith.addf %parallel_loop3A_168, %parallel_loop3A_171 : vector<16xf32>
        %parallel_loop3A_173 = arith.fptosi %parallel_loop3A_172 : vector<16xf32> to vector<16xi32>
        %parallel_loop3A_174 = arith.index_cast %parallel_loop3A_165 : i32 to index
        %parallel_loop3A_175 = tpu.vector_load %arg13[%parallel_loop3A_174] {strides = array<i32>} : memref<8192xi32, #tpu.memory_space<vmem>>, vector<16xi32>,
        %parallel_loop3A_176 = vector.shape_cast %parallel_loop3A_175 : vector<16xi32> to vector<16xi32>
        %parallel_loop3A_177 = vector.shape_cast %parallel_loop3A_173 : vector<16xi32> to vector<16xi32>
        tpu.vector_store %arg13[%parallel_loop3A_174], %parallel_loop3A_177 {strides = array<i32>} : memref<8192xi32, #tpu.memory_space<vmem>>, vector<16xi32>,
      } {sc.loop_unroll_factor = 8 : i64, sc.parallel_access}
      %mul3A_58 = arith.constant 8192 : i32
      %mul3A_59 = arith.muli %add3A_45, %mul3A_58 : i32
      %add3A_60 = arith.addi %mul3A_2, %mul3A_59 : i32
      %dma_start3A_61 = tpu.memref_slice %arg4[%add3A_60] : memref<4194304xi32, #tpu.memory_space<hbm>> -> memref<8192xi32, #tpu.memory_space<hbm>>
      %dma_start3A_62 = tpu.memref_slice %arg4[%add3A_60] : memref<4194304xi32, #tpu.memory_space<hbm>> -> memref<8192xi32, #tpu.memory_space<hbm>>
      tpu.enqueue_dma source(%arg13 : memref<8192xi32, #tpu.memory_space<vmem>>) target(%dma_start3A_62 : memref<8192xi32, #tpu.memory_space<hbm>>) target_semaphore(%arg25 : memref<!tpu.dma_semaphore, #tpu.memory_space<semaphore_mem>>)
      %add3A_63 = arith.constant 4 : i32
      %add3A_64 = arith.addi %add3A_45, %add3A_63 : i32
      %lt3A = arith.constant 16 : i32
      %lt3A_65 = arith.cmpi slt, %add3A_64, %lt3A : i32
      %convert_element_type3A_66 = arith.extui %lt3A_65 : i1 to i32
      %cond3A_67 = arith.constant 0 : i32
      %cond3A_68 = arith.cmpi ne, %convert_element_type3A_66, %cond3A_67 : i32
      scf.if %cond3A_68 {
        %add3A_165 = arith.constant 4 : i32
        %add3A_166 = arith.addi %add3A_45, %add3A_165 : i32
        %mul3A_167 = arith.constant 8192 : i32
        %mul3A_168 = arith.muli %add3A_166, %mul3A_167 : i32
        %add3A_169 = arith.addi %mul3A_2, %mul3A_168 : i32
        %dma_start3A_170 = tpu.memref_slice %arg2[%add3A_169] : memref<4194304xf32, #tpu.memory_space<hbm>> -> memref<8192xf32, #tpu.memory_space<hbm>>
        %dma_start3A_171 = tpu.memref_slice %arg2[%add3A_169] : memref<4194304xf32, #tpu.memory_space<hbm>> -> memref<8192xf32, #tpu.memory_space<hbm>>
        tpu.enqueue_dma source(%dma_start3A_171 : memref<8192xf32, #tpu.memory_space<hbm>>) target(%arg5 : memref<8192xf32, #tpu.memory_space<vmem>>) target_semaphore(%arg17 : memref<!tpu.dma_semaphore, #tpu.memory_space<semaphore_mem>>)
        %dma_start3A_172 = tpu.memref_slice %arg3[%add3A_169] : memref<4194304xf32, #tpu.memory_space<hbm>> -> memref<8192xf32, #tpu.memory_space<hbm>>
        %dma_start3A_173 = tpu.memref_slice %arg3[%add3A_169] : memref<4194304xf32, #tpu.memory_space<hbm>> -> memref<8192xf32, #tpu.memory_space<hbm>>
        tpu.enqueue_dma source(%dma_start3A_173 : memref<8192xf32, #tpu.memory_space<hbm>>) target(%arg9 : memref<8192xf32, #tpu.memory_space<vmem>>) target_semaphore(%arg21 : memref<!tpu.dma_semaphore, #tpu.memory_space<semaphore_mem>>)
      } else {
      }
      %mul3A_69 = arith.constant 4 : i32
      %mul3A_70 = arith.muli %add3A_41, %mul3A_69 : i32
      %add3A_71 = arith.constant 1 : i32
      %add3A_72 = arith.addi %mul3A_70, %add3A_71 : i32
      %dma_wait3A_73 = arith.constant 0 : i32
      %dma_wait3A_74 = tpu.memref_slice %arg2[%dma_wait3A_73] : memref<4194304xf32, #tpu.memory_space<hbm>> -> memref<8192xf32, #tpu.memory_space<hbm>>
      %dma_wait3A_75 = arith.constant 0 : i32
      %dma_wait3A_76 = tpu.memref_slice %arg2[%dma_wait3A_75] : memref<4194304xf32, #tpu.memory_space<hbm>> -> memref<8192xf32, #tpu.memory_space<hbm>>
      tpu.wait_dma2 semaphore(%arg18 : memref<!tpu.dma_semaphore, #tpu.memory_space<semaphore_mem>>) src(%dma_wait3A_76 : memref<8192xf32, #tpu.memory_space<hbm>>) dst(%arg6 : memref<8192xf32, #tpu.memory_space<vmem>>)
      %dma_wait3A_77 = arith.constant 0 : i32
      %dma_wait3A_78 = tpu.memref_slice %arg3[%dma_wait3A_77] : memref<4194304xf32, #tpu.memory_space<hbm>> -> memref<8192xf32, #tpu.memory_space<hbm>>
      %dma_wait3A_79 = arith.constant 0 : i32
      %dma_wait3A_80 = tpu.memref_slice %arg3[%dma_wait3A_79] : memref<4194304xf32, #tpu.memory_space<hbm>> -> memref<8192xf32, #tpu.memory_space<hbm>>
      tpu.wait_dma2 semaphore(%arg22 : memref<!tpu.dma_semaphore, #tpu.memory_space<semaphore_mem>>) src(%dma_wait3A_80 : memref<8192xf32, #tpu.memory_space<hbm>>) dst(%arg10 : memref<8192xf32, #tpu.memory_space<vmem>>)
      %ge3A_81 = arith.constant 1 : i32
      %ge3A_82 = arith.cmpi sge, %add3A_41, %ge3A_81 : i32
      %convert_element_type3A_83 = arith.extui %ge3A_82 : i1 to i32
      %cond3A_84 = arith.constant 0 : i32
      %cond3A_85 = arith.cmpi ne, %convert_element_type3A_83, %cond3A_84 : i32
      scf.if %cond3A_85 {
        %dma_wait3A_165 = tpu.memref_slice %arg4[%mul3A_2] : memref<4194304xi32, #tpu.memory_space<hbm>> -> memref<8192xi32, #tpu.memory_space<hbm>>
        %dma_wait3A_166 = tpu.memref_slice %arg4[%mul3A_2] : memref<4194304xi32, #tpu.memory_space<hbm>> -> memref<8192xi32, #tpu.memory_space<hbm>>
        tpu.wait_dma2 semaphore(%arg26 : memref<!tpu.dma_semaphore, #tpu.memory_space<semaphore_mem>>) src(%arg14 : memref<8192xi32, #tpu.memory_space<vmem>>) dst(%dma_wait3A_166 : memref<8192xi32, #tpu.memory_space<hbm>>)
      } else {
      }
      %parallel_loop3A_86 = arith.constant 0 : i32
      %parallel_loop3A_87 = arith.constant 8192 : i32
      %parallel_loop3A_88 = arith.constant 16 : i32
      scf.for %parallel_loop3A_165 = %parallel_loop3A_86 to %parallel_loop3A_87 step %parallel_loop3A_88  : i32 {
        %parallel_loop3A_166 = arith.index_cast %parallel_loop3A_165 : i32 to index
        %parallel_loop3A_167 = tpu.vector_load %arg6[%parallel_loop3A_166] {strides = array<i32>} : memref<8192xf32, #tpu.memory_space<vmem>>, vector<16xf32>,
        %parallel_loop3A_168 = vector.shape_cast %parallel_loop3A_167 : vector<16xf32> to vector<16xf32>
        %parallel_loop3A_169 = arith.index_cast %parallel_loop3A_165 : i32 to index
        %parallel_loop3A_170 = tpu.vector_load %arg10[%parallel_loop3A_169] {strides = array<i32>} : memref<8192xf32, #tpu.memory_space<vmem>>, vector<16xf32>,
        %parallel_loop3A_171 = vector.shape_cast %parallel_loop3A_170 : vector<16xf32> to vector<16xf32>
        %parallel_loop3A_172 = arith.addf %parallel_loop3A_168, %parallel_loop3A_171 : vector<16xf32>
        %parallel_loop3A_173 = arith.fptosi %parallel_loop3A_172 : vector<16xf32> to vector<16xi32>
        %parallel_loop3A_174 = arith.index_cast %parallel_loop3A_165 : i32 to index
        %parallel_loop3A_175 = tpu.vector_load %arg14[%parallel_loop3A_174] {strides = array<i32>} : memref<8192xi32, #tpu.memory_space<vmem>>, vector<16xi32>,
        %parallel_loop3A_176 = vector.shape_cast %parallel_loop3A_175 : vector<16xi32> to vector<16xi32>
        %parallel_loop3A_177 = vector.shape_cast %parallel_loop3A_173 : vector<16xi32> to vector<16xi32>
        tpu.vector_store %arg14[%parallel_loop3A_174], %parallel_loop3A_177 {strides = array<i32>} : memref<8192xi32, #tpu.memory_space<vmem>>, vector<16xi32>,
      } {sc.loop_unroll_factor = 8 : i64, sc.parallel_access}
      %mul3A_89 = arith.constant 8192 : i32
      %mul3A_90 = arith.muli %add3A_72, %mul3A_89 : i32
      %add3A_91 = arith.addi %mul3A_2, %mul3A_90 : i32
      %dma_start3A_92 = tpu.memref_slice %arg4[%add3A_91] : memref<4194304xi32, #tpu.memory_space<hbm>> -> memref<8192xi32, #tpu.memory_space<hbm>>
      %dma_start3A_93 = tpu.memref_slice %arg4[%add3A_91] : memref<4194304xi32, #tpu.memory_space<hbm>> -> memref<8192xi32, #tpu.memory_space<hbm>>
      tpu.enqueue_dma source(%arg14 : memref<8192xi32, #tpu.memory_space<vmem>>) target(%dma_start3A_93 : memref<8192xi32, #tpu.memory_space<hbm>>) target_semaphore(%arg26 : memref<!tpu.dma_semaphore, #tpu.memory_space<semaphore_mem>>)
      %add3A_94 = arith.constant 4 : i32
      %add3A_95 = arith.addi %add3A_72, %add3A_94 : i32
      %lt3A_96 = arith.constant 16 : i32
      %lt3A_97 = arith.cmpi slt, %add3A_95, %lt3A_96 : i32
      %convert_element_type3A_98 = arith.extui %lt3A_97 : i1 to i32
      %cond3A_99 = arith.constant 0 : i32
      %cond3A_100 = arith.cmpi ne, %convert_element_type3A_98, %cond3A_99 : i32
      scf.if %cond3A_100 {
        %add3A_165 = arith.constant 4 : i32
        %add3A_166 = arith.addi %add3A_72, %add3A_165 : i32
        %mul3A_167 = arith.constant 8192 : i32
        %mul3A_168 = arith.muli %add3A_166, %mul3A_167 : i32
        %add3A_169 = arith.addi %mul3A_2, %mul3A_168 : i32
        %dma_start3A_170 = tpu.memref_slice %arg2[%add3A_169] : memref<4194304xf32, #tpu.memory_space<hbm>> -> memref<8192xf32, #tpu.memory_space<hbm>>
        %dma_start3A_171 = tpu.memref_slice %arg2[%add3A_169] : memref<4194304xf32, #tpu.memory_space<hbm>> -> memref<8192xf32, #tpu.memory_space<hbm>>
        tpu.enqueue_dma source(%dma_start3A_171 : memref<8192xf32, #tpu.memory_space<hbm>>) target(%arg6 : memref<8192xf32, #tpu.memory_space<vmem>>) target_semaphore(%arg18 : memref<!tpu.dma_semaphore, #tpu.memory_space<semaphore_mem>>)
        %dma_start3A_172 = tpu.memref_slice %arg3[%add3A_169] : memref<4194304xf32, #tpu.memory_space<hbm>> -> memref<8192xf32, #tpu.memory_space<hbm>>
        %dma_start3A_173 = tpu.memref_slice %arg3[%add3A_169] : memref<4194304xf32, #tpu.memory_space<hbm>> -> memref<8192xf32, #tpu.memory_space<hbm>>
        tpu.enqueue_dma source(%dma_start3A_173 : memref<8192xf32, #tpu.memory_space<hbm>>) target(%arg10 : memref<8192xf32, #tpu.memory_space<vmem>>) target_semaphore(%arg22 : memref<!tpu.dma_semaphore, #tpu.memory_space<semaphore_mem>>)
      } else {
      }
      %mul3A_101 = arith.constant 4 : i32
      %mul3A_102 = arith.muli %add3A_41, %mul3A_101 : i32
      %add3A_103 = arith.constant 2 : i32
      %add3A_104 = arith.addi %mul3A_102, %add3A_103 : i32
      %dma_wait3A_105 = arith.constant 0 : i32
      %dma_wait3A_106 = tpu.memref_slice %arg2[%dma_wait3A_105] : memref<4194304xf32, #tpu.memory_space<hbm>> -> memref<8192xf32, #tpu.memory_space<hbm>>
      %dma_wait3A_107 = arith.constant 0 : i32
      %dma_wait3A_108 = tpu.memref_slice %arg2[%dma_wait3A_107] : memref<4194304xf32, #tpu.memory_space<hbm>> -> memref<8192xf32, #tpu.memory_space<hbm>>
      tpu.wait_dma2 semaphore(%arg19 : memref<!tpu.dma_semaphore, #tpu.memory_space<semaphore_mem>>) src(%dma_wait3A_108 : memref<8192xf32, #tpu.memory_space<hbm>>) dst(%arg7 : memref<8192xf32, #tpu.memory_space<vmem>>)
      %dma_wait3A_109 = arith.constant 0 : i32
      %dma_wait3A_110 = tpu.memref_slice %arg3[%dma_wait3A_109] : memref<4194304xf32, #tpu.memory_space<hbm>> -> memref<8192xf32, #tpu.memory_space<hbm>>
      %dma_wait3A_111 = arith.constant 0 : i32
      %dma_wait3A_112 = tpu.memref_slice %arg3[%dma_wait3A_111] : memref<4194304xf32, #tpu.memory_space<hbm>> -> memref<8192xf32, #tpu.memory_space<hbm>>
      tpu.wait_dma2 semaphore(%arg23 : memref<!tpu.dma_semaphore, #tpu.memory_space<semaphore_mem>>) src(%dma_wait3A_112 : memref<8192xf32, #tpu.memory_space<hbm>>) dst(%arg11 : memref<8192xf32, #tpu.memory_space<vmem>>)
      %ge3A_113 = arith.constant 1 : i32
      %ge3A_114 = arith.cmpi sge, %add3A_41, %ge3A_113 : i32
      %convert_element_type3A_115 = arith.extui %ge3A_114 : i1 to i32
      %cond3A_116 = arith.constant 0 : i32
      %cond3A_117 = arith.cmpi ne, %convert_element_type3A_115, %cond3A_116 : i32
      scf.if %cond3A_117 {
        %dma_wait3A_165 = tpu.memref_slice %arg4[%mul3A_2] : memref<4194304xi32, #tpu.memory_space<hbm>> -> memref<8192xi32, #tpu.memory_space<hbm>>
        %dma_wait3A_166 = tpu.memref_slice %arg4[%mul3A_2] : memref<4194304xi32, #tpu.memory_space<hbm>> -> memref<8192xi32, #tpu.memory_space<hbm>>
        tpu.wait_dma2 semaphore(%arg27 : memref<!tpu.dma_semaphore, #tpu.memory_space<semaphore_mem>>) src(%arg15 : memref<8192xi32, #tpu.memory_space<vmem>>) dst(%dma_wait3A_166 : memref<8192xi32, #tpu.memory_space<hbm>>)
      } else {
      }
      %parallel_loop3A_118 = arith.constant 0 : i32
      %parallel_loop3A_119 = arith.constant 8192 : i32
      %parallel_loop3A_120 = arith.constant 16 : i32
      scf.for %parallel_loop3A_165 = %parallel_loop3A_118 to %parallel_loop3A_119 step %parallel_loop3A_120  : i32 {
        %parallel_loop3A_166 = arith.index_cast %parallel_loop3A_165 : i32 to index
        %parallel_loop3A_167 = tpu.vector_load %arg7[%parallel_loop3A_166] {strides = array<i32>} : memref<8192xf32, #tpu.memory_space<vmem>>, vector<16xf32>,
        %parallel_loop3A_168 = vector.shape_cast %parallel_loop3A_167 : vector<16xf32> to vector<16xf32>
        %parallel_loop3A_169 = arith.index_cast %parallel_loop3A_165 : i32 to index
        %parallel_loop3A_170 = tpu.vector_load %arg11[%parallel_loop3A_169] {strides = array<i32>} : memref<8192xf32, #tpu.memory_space<vmem>>, vector<16xf32>,
        %parallel_loop3A_171 = vector.shape_cast %parallel_loop3A_170 : vector<16xf32> to vector<16xf32>
        %parallel_loop3A_172 = arith.addf %parallel_loop3A_168, %parallel_loop3A_171 : vector<16xf32>
        %parallel_loop3A_173 = arith.fptosi %parallel_loop3A_172 : vector<16xf32> to vector<16xi32>
        %parallel_loop3A_174 = arith.index_cast %parallel_loop3A_165 : i32 to index
        %parallel_loop3A_175 = tpu.vector_load %arg15[%parallel_loop3A_174] {strides = array<i32>} : memref<8192xi32, #tpu.memory_space<vmem>>, vector<16xi32>,
        %parallel_loop3A_176 = vector.shape_cast %parallel_loop3A_175 : vector<16xi32> to vector<16xi32>
        %parallel_loop3A_177 = vector.shape_cast %parallel_loop3A_173 : vector<16xi32> to vector<16xi32>
        tpu.vector_store %arg15[%parallel_loop3A_174], %parallel_loop3A_177 {strides = array<i32>} : memref<8192xi32, #tpu.memory_space<vmem>>, vector<16xi32>,
      } {sc.loop_unroll_factor = 8 : i64, sc.parallel_access}
      %mul3A_121 = arith.constant 8192 : i32
      %mul3A_122 = arith.muli %add3A_104, %mul3A_121 : i32
      %add3A_123 = arith.addi %mul3A_2, %mul3A_122 : i32
      %dma_start3A_124 = tpu.memref_slice %arg4[%add3A_123] : memref<4194304xi32, #tpu.memory_space<hbm>> -> memref<8192xi32, #tpu.memory_space<hbm>>
      %dma_start3A_125 = tpu.memref_slice %arg4[%add3A_123] : memref<4194304xi32, #tpu.memory_space<hbm>> -> memref<8192xi32, #tpu.memory_space<hbm>>
      tpu.enqueue_dma source(%arg15 : memref<8192xi32, #tpu.memory_space<vmem>>) target(%dma_start3A_125 : memref<8192xi32, #tpu.memory_space<hbm>>) target_semaphore(%arg27 : memref<!tpu.dma_semaphore, #tpu.memory_space<semaphore_mem>>)
      %add3A_126 = arith.constant 4 : i32
      %add3A_127 = arith.addi %add3A_104, %add3A_126 : i32
      %lt3A_128 = arith.constant 16 : i32
      %lt3A_129 = arith.cmpi slt, %add3A_127, %lt3A_128 : i32
      %convert_element_type3A_130 = arith.extui %lt3A_129 : i1 to i32
      %cond3A_131 = arith.constant 0 : i32
      %cond3A_132 = arith.cmpi ne, %convert_element_type3A_130, %cond3A_131 : i32
      scf.if %cond3A_132 {
        %add3A_165 = arith.constant 4 : i32
        %add3A_166 = arith.addi %add3A_104, %add3A_165 : i32
        %mul3A_167 = arith.constant 8192 : i32
        %mul3A_168 = arith.muli %add3A_166, %mul3A_167 : i32
        %add3A_169 = arith.addi %mul3A_2, %mul3A_168 : i32
        %dma_start3A_170 = tpu.memref_slice %arg2[%add3A_169] : memref<4194304xf32, #tpu.memory_space<hbm>> -> memref<8192xf32, #tpu.memory_space<hbm>>
        %dma_start3A_171 = tpu.memref_slice %arg2[%add3A_169] : memref<4194304xf32, #tpu.memory_space<hbm>> -> memref<8192xf32, #tpu.memory_space<hbm>>
        tpu.enqueue_dma source(%dma_start3A_171 : memref<8192xf32, #tpu.memory_space<hbm>>) target(%arg7 : memref<8192xf32, #tpu.memory_space<vmem>>) target_semaphore(%arg19 : memref<!tpu.dma_semaphore, #tpu.memory_space<semaphore_mem>>)
        %dma_start3A_172 = tpu.memref_slice %arg3[%add3A_169] : memref<4194304xf32, #tpu.memory_space<hbm>> -> memref<8192xf32, #tpu.memory_space<hbm>>
        %dma_start3A_173 = tpu.memref_slice %arg3[%add3A_169] : memref<4194304xf32, #tpu.memory_space<hbm>> -> memref<8192xf32, #tpu.memory_space<hbm>>
        tpu.enqueue_dma source(%dma_start3A_173 : memref<8192xf32, #tpu.memory_space<hbm>>) target(%arg11 : memref<8192xf32, #tpu.memory_space<vmem>>) target_semaphore(%arg23 : memref<!tpu.dma_semaphore, #tpu.memory_space<semaphore_mem>>)
      } else {
      }
      %mul3A_133 = arith.constant 4 : i32
      %mul3A_134 = arith.muli %add3A_41, %mul3A_133 : i32
      %add3A_135 = arith.constant 3 : i32
      %add3A_136 = arith.addi %mul3A_134, %add3A_135 : i32
      %dma_wait3A_137 = arith.constant 0 : i32
      %dma_wait3A_138 = tpu.memref_slice %arg2[%dma_wait3A_137] : memref<4194304xf32, #tpu.memory_space<hbm>> -> memref<8192xf32, #tpu.memory_space<hbm>>
      %dma_wait3A_139 = arith.constant 0 : i32
      %dma_wait3A_140 = tpu.memref_slice %arg2[%dma_wait3A_139] : memref<4194304xf32, #tpu.memory_space<hbm>> -> memref<8192xf32, #tpu.memory_space<hbm>>
      tpu.wait_dma2 semaphore(%arg20 : memref<!tpu.dma_semaphore, #tpu.memory_space<semaphore_mem>>) src(%dma_wait3A_140 : memref<8192xf32, #tpu.memory_space<hbm>>) dst(%arg8 : memref<8192xf32, #tpu.memory_space<vmem>>)
      %dma_wait3A_141 = arith.constant 0 : i32
      %dma_wait3A_142 = tpu.memref_slice %arg3[%dma_wait3A_141] : memref<4194304xf32, #tpu.memory_space<hbm>> -> memref<8192xf32, #tpu.memory_space<hbm>>
      %dma_wait3A_143 = arith.constant 0 : i32
      %dma_wait3A_144 = tpu.memref_slice %arg3[%dma_wait3A_143] : memref<4194304xf32, #tpu.memory_space<hbm>> -> memref<8192xf32, #tpu.memory_space<hbm>>
      tpu.wait_dma2 semaphore(%arg24 : memref<!tpu.dma_semaphore, #tpu.memory_space<semaphore_mem>>) src(%dma_wait3A_144 : memref<8192xf32, #tpu.memory_space<hbm>>) dst(%arg12 : memref<8192xf32, #tpu.memory_space<vmem>>)
      %ge3A_145 = arith.constant 1 : i32
      %ge3A_146 = arith.cmpi sge, %add3A_41, %ge3A_145 : i32
      %convert_element_type3A_147 = arith.extui %ge3A_146 : i1 to i32
      %cond3A_148 = arith.constant 0 : i32
      %cond3A_149 = arith.cmpi ne, %convert_element_type3A_147, %cond3A_148 : i32
      scf.if %cond3A_149 {
        %dma_wait3A_165 = tpu.memref_slice %arg4[%mul3A_2] : memref<4194304xi32, #tpu.memory_space<hbm>> -> memref<8192xi32, #tpu.memory_space<hbm>>
        %dma_wait3A_166 = tpu.memref_slice %arg4[%mul3A_2] : memref<4194304xi32, #tpu.memory_space<hbm>> -> memref<8192xi32, #tpu.memory_space<hbm>>
        tpu.wait_dma2 semaphore(%arg28 : memref<!tpu.dma_semaphore, #tpu.memory_space<semaphore_mem>>) src(%arg16 : memref<8192xi32, #tpu.memory_space<vmem>>) dst(%dma_wait3A_166 : memref<8192xi32, #tpu.memory_space<hbm>>)
      } else {
      }
      %parallel_loop3A_150 = arith.constant 0 : i32
      %parallel_loop3A_151 = arith.constant 8192 : i32
      %parallel_loop3A_152 = arith.constant 16 : i32
      scf.for %parallel_loop3A_165 = %parallel_loop3A_150 to %parallel_loop3A_151 step %parallel_loop3A_152  : i32 {
        %parallel_loop3A_166 = arith.index_cast %parallel_loop3A_165 : i32 to index
        %parallel_loop3A_167 = tpu.vector_load %arg8[%parallel_loop3A_166] {strides = array<i32>} : memref<8192xf32, #tpu.memory_space<vmem>>, vector<16xf32>,
        %parallel_loop3A_168 = vector.shape_cast %parallel_loop3A_167 : vector<16xf32> to vector<16xf32>
        %parallel_loop3A_169 = arith.index_cast %parallel_loop3A_165 : i32 to index
        %parallel_loop3A_170 = tpu.vector_load %arg12[%parallel_loop3A_169] {strides = array<i32>} : memref<8192xf32, #tpu.memory_space<vmem>>, vector<16xf32>,
        %parallel_loop3A_171 = vector.shape_cast %parallel_loop3A_170 : vector<16xf32> to vector<16xf32>
        %parallel_loop3A_172 = arith.addf %parallel_loop3A_168, %parallel_loop3A_171 : vector<16xf32>
        %parallel_loop3A_173 = arith.fptosi %parallel_loop3A_172 : vector<16xf32> to vector<16xi32>
        %parallel_loop3A_174 = arith.index_cast %parallel_loop3A_165 : i32 to index
        %parallel_loop3A_175 = tpu.vector_load %arg16[%parallel_loop3A_174] {strides = array<i32>} : memref<8192xi32, #tpu.memory_space<vmem>>, vector<16xi32>,
        %parallel_loop3A_176 = vector.shape_cast %parallel_loop3A_175 : vector<16xi32> to vector<16xi32>
        %parallel_loop3A_177 = vector.shape_cast %parallel_loop3A_173 : vector<16xi32> to vector<16xi32>
        tpu.vector_store %arg16[%parallel_loop3A_174], %parallel_loop3A_177 {strides = array<i32>} : memref<8192xi32, #tpu.memory_space<vmem>>, vector<16xi32>,
      } {sc.loop_unroll_factor = 8 : i64, sc.parallel_access}
      %mul3A_153 = arith.constant 8192 : i32
      %mul3A_154 = arith.muli %add3A_136, %mul3A_153 : i32
      %add3A_155 = arith.addi %mul3A_2, %mul3A_154 : i32
      %dma_start3A_156 = tpu.memref_slice %arg4[%add3A_155] : memref<4194304xi32, #tpu.memory_space<hbm>> -> memref<8192xi32, #tpu.memory_space<hbm>>
      %dma_start3A_157 = tpu.memref_slice %arg4[%add3A_155] : memref<4194304xi32, #tpu.memory_space<hbm>> -> memref<8192xi32, #tpu.memory_space<hbm>>
      tpu.enqueue_dma source(%arg16 : memref<8192xi32, #tpu.memory_space<vmem>>) target(%dma_start3A_157 : memref<8192xi32, #tpu.memory_space<hbm>>) target_semaphore(%arg28 : memref<!tpu.dma_semaphore, #tpu.memory_space<semaphore_mem>>)
      %add3A_158 = arith.constant 4 : i32
      %add3A_159 = arith.addi %add3A_136, %add3A_158 : i32
      %lt3A_160 = arith.constant 16 : i32
      %lt3A_161 = arith.cmpi slt, %add3A_159, %lt3A_160 : i32
      %convert_element_type3A_162 = arith.extui %lt3A_161 : i1 to i32
      %cond3A_163 = arith.constant 0 : i32
      %cond3A_164 = arith.cmpi ne, %convert_element_type3A_162, %cond3A_163 : i32
      scf.if %cond3A_164 {
        %add3A_165 = arith.constant 4 : i32
        %add3A_166 = arith.addi %add3A_136, %add3A_165 : i32
        %mul3A_167 = arith.constant 8192 : i32
        %mul3A_168 = arith.muli %add3A_166, %mul3A_167 : i32
        %add3A_169 = arith.addi %mul3A_2, %mul3A_168 : i32
        %dma_start3A_170 = tpu.memref_slice %arg2[%add3A_169] : memref<4194304xf32, #tpu.memory_space<hbm>> -> memref<8192xf32, #tpu.memory_space<hbm>>
        %dma_start3A_171 = tpu.memref_slice %arg2[%add3A_169] : memref<4194304xf32, #tpu.memory_space<hbm>> -> memref<8192xf32, #tpu.memory_space<hbm>>
        tpu.enqueue_dma source(%dma_start3A_171 : memref<8192xf32, #tpu.memory_space<hbm>>) target(%arg8 : memref<8192xf32, #tpu.memory_space<vmem>>) target_semaphore(%arg20 : memref<!tpu.dma_semaphore, #tpu.memory_space<semaphore_mem>>)
        %dma_start3A_172 = tpu.memref_slice %arg3[%add3A_169] : memref<4194304xf32, #tpu.memory_space<hbm>> -> memref<8192xf32, #tpu.memory_space<hbm>>
        %dma_start3A_173 = tpu.memref_slice %arg3[%add3A_169] : memref<4194304xf32, #tpu.memory_space<hbm>> -> memref<8192xf32, #tpu.memory_space<hbm>>
        tpu.enqueue_dma source(%dma_start3A_173 : memref<8192xf32, #tpu.memory_space<hbm>>) target(%arg12 : memref<8192xf32, #tpu.memory_space<vmem>>) target_semaphore(%arg24 : memref<!tpu.dma_semaphore, #tpu.memory_space<semaphore_mem>>)
      } else {
      }
    }
    %scan3A_29 = arith.constant 4 : i32
    %dma_wait3A = tpu.memref_slice %arg4[%mul3A_2] : memref<4194304xi32, #tpu.memory_space<hbm>> -> memref<8192xi32, #tpu.memory_space<hbm>>
    %dma_wait3A_30 = tpu.memref_slice %arg4[%mul3A_2] : memref<4194304xi32, #tpu.memory_space<hbm>> -> memref<8192xi32, #tpu.memory_space<hbm>>
    tpu.wait_dma2 semaphore(%arg25 : memref<!tpu.dma_semaphore, #tpu.memory_space<semaphore_mem>>) src(%arg13 : memref<8192xi32, #tpu.memory_space<vmem>>) dst(%dma_wait3A_30 : memref<8192xi32, #tpu.memory_space<hbm>>)
    %dma_wait3A_31 = tpu.memref_slice %arg4[%mul3A_2] : memref<4194304xi32, #tpu.memory_space<hbm>> -> memref<8192xi32, #tpu.memory_space<hbm>>
    %dma_wait3A_32 = tpu.memref_slice %arg4[%mul3A_2] : memref<4194304xi32, #tpu.memory_space<hbm>> -> memref<8192xi32, #tpu.memory_space<hbm>>
    tpu.wait_dma2 semaphore(%arg26 : memref<!tpu.dma_semaphore, #tpu.memory_space<semaphore_mem>>) src(%arg14 : memref<8192xi32, #tpu.memory_space<vmem>>) dst(%dma_wait3A_32 : memref<8192xi32, #tpu.memory_space<hbm>>)
    %dma_wait3A_33 = tpu.memref_slice %arg4[%mul3A_2] : memref<4194304xi32, #tpu.memory_space<hbm>> -> memref<8192xi32, #tpu.memory_space<hbm>>
    %dma_wait3A_34 = tpu.memref_slice %arg4[%mul3A_2] : memref<4194304xi32, #tpu.memory_space<hbm>> -> memref<8192xi32, #tpu.memory_space<hbm>>
    tpu.wait_dma2 semaphore(%arg27 : memref<!tpu.dma_semaphore, #tpu.memory_space<semaphore_mem>>) src(%arg15 : memref<8192xi32, #tpu.memory_space<vmem>>) dst(%dma_wait3A_34 : memref<8192xi32, #tpu.memory_space<hbm>>)
    %dma_wait3A_35 = tpu.memref_slice %arg4[%mul3A_2] : memref<4194304xi32, #tpu.memory_space<hbm>> -> memref<8192xi32, #tpu.memory_space<hbm>>
    %dma_wait3A_36 = tpu.memref_slice %arg4[%mul3A_2] : memref<4194304xi32, #tpu.memory_space<hbm>> -> memref<8192xi32, #tpu.memory_space<hbm>>
    tpu.wait_dma2 semaphore(%arg28 : memref<!tpu.dma_semaphore, #tpu.memory_space<semaphore_mem>>) src(%arg16 : memref<8192xi32, #tpu.memory_space<vmem>>) dst(%dma_wait3A_36 : memref<8192xi32, #tpu.memory_space<hbm>>)
    return
  }
}

</mosaic_0001>

<sc_bundles>
// kernel: kernel.3.cloned.1.call-start
scs
__scs_entry_jumppad:
0x0: {  	(pc) =	sbr.rel $0x88, $3  }
0x1: {  	(tag) =	ssettag $0x0;
	lr =	simm.s32 $0x1  }
0x2: {  	[smem:$0x3F9F] =	sst lr;
	_ =	strace $0xD0000000  }
0x3: {  	_ = 	snop  }
0x4: {  	_ = 	snop  }
0x5: {  	_ = 	snop  }
0x6: {  	_ = 	snop  }
0x7: {  	_ = 	snop  }
__scs_overlays_trampoline_lowered:
0x8: {  	[smem:$0x3FAE] =	sst s0  }
0x9: {  	[smem:$0x3FAF] =	sst s1  }
0xa: {  	[smem:$0x3FB0] =	sst s2  }
0xb: {  	[smem:$0x3FB1] =	sst s3  }
0xc: {  	[smem:$0x3FB2] =	sst s4  }
0xd: {  	[smem:$0x3FB3] =	sst s5  }
0xe: {  	[smem:$0x3FB4] =	sst s6  }
0xf: {  	[smem:$0x3FB5] =	sst s7  }
0x10: {  	[smem:$0x3FB6] =	sst s8  }
0x11: {  	[smem:$0x3FB7] =	sst s9;
	s0 =	simm.s32 @!p0 $0x0  }
0x12: {  	s1 =	sld [smem:$0x3F9D];
	s0 =	simm.s32 @p0 $0x1  }
0x13: {  	[smem:$0x3FB8] =	sst s0;
	s0 =	simm.s32 @!p1 $0x0  }
0x14: {  	s2 =	sld [smem:$0x3F9C];
	s0 =	simm.s32 @p1 $0x1  }
0x15: {  	[smem:$0x3FB9] =	sst s0;
	s0 =	simm.s32 @!p2 $0x0  }
0x16: {  	s3 =	sld [smem:$0x3FDB];
	s0 =	simm.s32 @p2 $0x1  }
0x17: {  	s4 =	simm.s32 $0x1BF5;
	[smem:$0x3FBB] =	sst s0  }
0x18: {  	s0 =	sld [smem:$0x3F9E];
	_ =	swait.ge [sflag:s4], $0x0  }
0x19: {  	s7 =	sld [smem:$0x3F9F]  }
0x1a: {  	s8 =	sadd.s32 $0xFFFFE003, lr  }
0x1b: {  	s9 =	sadd.s32 $0xFFFFFEF7, lr;
	s5 =	simm.s32 $0xFFFFFFFF;
	p2 =	slt.u32 s8, $0xFFFFF086  }
0x1c: {  	p1 =	slt.u32 s9, $0xF7A;
	s5 =	simm.s32 @!p2 $0x0  }
0x1d: {  	s5 =	simm.s32 @p1 $0x1;
	p0 =	seq.s32 s7, s2  }
0x1e: {  	s7 =	smul.u32 @!p0 $0xF7A, s2;
	p2 =	seq.s32 @!p0 s5, $0x0  }
0x1f: {  	s9 =	smul.u32 $0xF7A, s1;
	s8 =	simm.s32 @!p0 $0x1BF5;
	p2 =	por !p2, p0  }
0x20: {  	[sflag:s8] =	ssyncset.s32 @!p0 $0xFFFFF086;
	s6 =	sadd.s32 @!p0 s3, s7;
	s7 =	simm.s32 @!p0 $0x108  }
0x21: {  	s3 =	sadd.s32 s3, s9;
	s6 =	sadd.s32 @!p0 $0x88, s6;
	s7 =	simm.s32 @p2 $0x1082  }
0x22: {  	[simem:s7], [sflag:s8] =	dma.local @!p0 [hbm:s6], $0xF7A  }
0x23: {  	s9 =	sor.u32 $0xD0000000, s2;
	s6 =	simm.s32 $0x108;
	_ =	swait.ge @!p0 [sflag:s8], $0x0  }
0x24: {  	s3 =	sadd.s32 $0x88, s3;
	s6 =	simm.s32 @!p1 $0x1082;
	[sflag:s4] =	ssyncset.s32 $0xFFFFF086  }
0x25: {  	[simem:s6], [sflag:s4] =	dma.local [hbm:s3], $0xF7A  }
0x26: {  	[smem:$0x3F9F] =	sst s1;
	(tag) =	ssettag s2;
	_ =	strace s9  }
0x27: {  	s1 =	sld [smem:$0x3FAF]  }
0x28: {  	s2 =	sld [smem:$0x3FB0]  }
0x29: {  	s4 =	sld [smem:$0x3FB2]  }
0x2a: {  	p0 =	seq.s32 s5, $0x0;
	s5 =	sld [smem:$0x3FB3]  }
0x2b: {  	s6 =	sld [smem:$0x3FB4]  }
0x2c: {  	s7 =	sld [smem:$0x3FB5]  }
0x2d: {  	s3 =	simm.s32 $0x108;
	s8 =	sld [smem:$0x3FB6]  }
0x2e: {  	s3 =	simm.s32 @!p0 $0x1082;
	s9 =	sld [smem:$0x3FB7]  }
0x2f: {  	lr =	sadd.s32 s0, s3;
	s0 =	sld [smem:$0x3FAE]  }
0x30: {  	s3 =	sld [smem:$0x3FB1]  }
0x31: {  	[smem:$0x3FBA] =	sst s10  }
0x32: {  	s10 =	sld [smem:$0x3FB8];
	_ =	sdelay $0x3  }
0x33: {  	p0 =	seq.s32 s10, $0x1;
	s10 =	sld [smem:$0x3FBA];
	_ =	sdelay $0x3  }
0x34: {  	[smem:$0x3FBA] =	sst s10  }
0x35: {  	s10 =	sld [smem:$0x3FB9];
	_ =	sdelay $0x3  }
0x36: {  	p1 =	seq.s32 s10, $0x1;
	s10 =	sld [smem:$0x3FBA];
	_ =	sdelay $0x3  }
0x37: {  	[smem:$0x3FBA] =	sst s10  }
0x38: {  	s10 =	sld [smem:$0x3FBB]  }
0x39: {  	_ = 	snop;
	(pc) =	sbr.ind lr, $3  }
0x3a: {  	_ = 	snop  }
0x3b: {  	_ = 	snop  }
0x3c: {  	p2 =	seq.s32 s10, $0x1;
	s10 =	sld [smem:$0x3FBA]  }
0x3d: {  	_ =	shalt  }
0x3e: {  	_ =	shalt  }
0x3f: {  	_ =	shalt  }
0x40: {  	_ =	shalt  }
0x41: {  	_ =	shalt  }
0x42: {  	_ =	shalt  }
0x43: {  	_ =	shalt  }
0x44: {  	_ =	shalt  }
0x45: {  	_ =	shalt  }
0x46: {  	_ =	shalt  }
0x47: {  	_ =	shalt  }
0x48: {  	_ =	shalt  }
0x49: {  	_ =	shalt  }
0x4a: {  	_ =	shalt  }
0x4b: {  	_ =	shalt  }
0x4c: {  	_ =	shalt  }
0x4d: {  	_ =	shalt  }
0x4e: {  	_ =	shalt  }
0x4f: {  	_ =	shalt  }
0x50: {  	_ =	shalt  }
0x51: {  	_ =	shalt  }
0x52: {  	_ =	shalt  }
0x53: {  	_ =	shalt  }
0x54: {  	_ =	shalt  }
0x55: {  	_ =	shalt  }
0x56: {  	_ =	shalt  }
0x57: {  	_ =	shalt  }
0x58: {  	_ =	shalt  }
0x59: {  	_ =	shalt  }
0x5a: {  	_ =	shalt  }
0x5b: {  	_ =	shalt  }
0x5c: {  	_ =	shalt  }
0x5d: {  	_ =	shalt  }
0x5e: {  	_ =	shalt  }
0x5f: {  	_ =	shalt  }
0x60: {  	_ =	shalt  }
0x61: {  	_ =	shalt  }
0x62: {  	_ =	shalt  }
0x63: {  	_ =	shalt  }
0x64: {  	_ =	shalt  }
0x65: {  	_ =	shalt  }
0x66: {  	_ =	shalt  }
0x67: {  	_ =	shalt  }
0x68: {  	_ =	shalt  }
0x69: {  	_ =	shalt  }
0x6a: {  	_ =	shalt  }
0x6b: {  	_ =	shalt  }
0x6c: {  	_ =	shalt  }
0x6d: {  	_ =	shalt  }
0x6e: {  	_ =	shalt  }
0x6f: {  	_ =	shalt  }
0x70: {  	_ =	shalt  }
0x71: {  	_ =	shalt  }
0x72: {  	_ =	shalt  }
0x73: {  	_ =	shalt  }
0x74: {  	_ =	shalt  }
0x75: {  	_ =	shalt  }
0x76: {  	_ =	shalt  }
0x77: {  	_ =	shalt  }
0x78: {  	_ =	shalt  }
0x79: {  	_ =	shalt  }
0x7a: {  	_ =	shalt  }
0x7b: {  	_ =	shalt  }
0x7c: {  	_ =	shalt  }
0x7d: {  	_ =	shalt  }
0x7e: {  	_ =	shalt  }
0x7f: {  	_ =	shalt  }
0x80: {  	_ =	shalt  }
0x81: {  	_ =	shalt  }
0x82: {  	_ =	shalt  }
0x83: {  	_ =	shalt  }
0x84: {  	_ =	shalt  }
0x85: {  	_ =	shalt  }
0x86: {  	_ =	shalt  }
0x87: {  	_ =	shalt  }
.Lfunc_end0:
.L_simem_size_0:
called_computation_lowered:
.L_overlay_start_0:
0x88: {  	s2 =	sld [smem:$0x3FD9]  }
0x89: {  	s3 =	sld [smem:$0x3FFE];
	_ =	sdelay $0x1  }
0x8a: {  	s1 =	srdreg.scid  }
0x8b: {  	s0 =	sand.u32 $0x1, s1  }
0x8c: {  	s18 =	sshll.u32 s0, $0xA;
	s2 =	sadd.s32 s3, s2  }
0x8d: {  	s2 =	sadd.s32 s2, s18  }
0x8e: {  	[smem:$0x3FC6] =	sst s2  }
0x8f: {  	_ = 	snop  }
0x90: {  	s2 =	sld [smem:$0x3FC9]  }
0x91: {  	s19 =	sld [smem:$0x3FC8]  }
0x92: {  	s4 =	sld [smem:$0x3FD0];
	(tm) =	ssettm $0x1  }
0x93: {  	s5 =	sld [smem:$0x3FFB];
	_ =	sdelay $0x3  }
0x94: {  	_ =	strace s5  }
0x95: {  	s5 =	sld [smem:$0x3FFC];
	_ =	sdelay $0x3  }
0x96: {  	_ =	strace s5  }
0x97: {  	s5 =	sld [smem:$0x3FFD];
	_ =	sdelay $0x3  }
0x98: {  	_ =	strace s5  }
0x99: {  	_ =	strace $0x8FFFFFFF  }
0x9a: {  	s20 =	sld [smem:$0x3FDB];
	_ =	sdelay $0x1  }
0x9b: {  	s6 =	simm.s32 $_scs_section_size  }
0x9c: {  	s7 =	simm.s32 $_size__tile_overlayer_lowered;
	s8 =	simm.s32 $_tile_overlayer_lowered  }
0x9d: {  	s23 =	simm.s32 $0x1BFF;
	s22 =	sshll.u32 s8, $0x1;
	s5 =	sadd.s32 s6, s20  }
0x9e: {  	s9 =	simm.s32 $0x0;
	s21 =	sshll.u32 s7, $0x1;
	s7 =	sadd.s32 s22, s5  }
0x9f: {  	[timem:s9], [sflag:s23] =	dma.local [hbm:s7], s21  }
0xa0: {  	_ =	swait.ge [sflag:s23], s21  }
0xa1: {  	s6 =	ssub.s32 $0x0, s21;
	[sflag:s23] =	ssyncset.done $0x0  }
0xa2: {  	[sflag:s23] =	ssyncadd.s32 s6;
	_ =	sdelay $0x1  }
0xa3: {  	s24 =	simm.s32 $0x1B8B  }
0xa4: {  	_ =	swait.ge [sflag:s24], $0x1  }
0xa5: {  	[sflag:s24] =	ssyncset.done $0x0  }
0xa6: {  	s25 =	simm.s32 $0x1B8E;
	[sflag:s24] =	ssyncadd.s32 $0xFFFFFFFF  }
0xa7: {  	s26 =	simm.s32 $execute0_lowered;
	[smem:$0x3FD2] =	sst s25  }
0xa8: {  	s6 =	sshll.u32 s26, $0x1;
	_ =	strace $0x80000046;
	[dreg:$0x1] =	wrdreg $0xFFFFFFFF  }
0xa9: {  	s28 =	simm.s32 $_size_execute0_lowered;
	s5 =	sadd.s32 s5, s6;
	[dreg:$0x0] =	wrdreg $0x0  }
0xaa: {  	s6 =	sshll.u32 s28, $0x1;
	[dreg:$0x2] =	wrdreg s5  }
0xab: {  	[dreg:$0x3] =	wrdreg s6  }
0xac: {  	[dreg:$0x4] =	wrdreg $0xC0  }
0xad: {  	_ =	task [dreg:s9], $0x5FFFF  }
0xae: {  	[dreg:$0x1] =	wrdreg $0xFFFFFFFF  }
0xaf: {  	[dreg:$0x0] =	wrdreg $0x60  }
0xb0: {  	[dreg:$0x2] =	wrdreg s2  }
0xb1: {  	[dreg:$0x3] =	wrdreg s19  }
0xb2: {  	[dreg:$0x4] =	wrdreg s4  }
0xb3: {  	[dreg:$0x5] =	wrdreg $0x9  }
0xb4: {  	_ =	task.clear_ibuf [dreg:s9], $0x6FFFF;
	_ =	strace $0x90000046  }
0xb5: {  	s29 =	simm.s32 $0x9;
	_ =	strace $0x80000048  }
0xb6: {  	_ =	swait.ge [sflag:s29], $0x1  }
0xb7: {  	[sflag:s29] =	ssyncadd.s32 $0xFFFFFFFF  }
0xb8: {  	_ =	strace $0x90000048  }
0xb9: {  	_ =	sfence  }
0xba: {  	s30 =	sld [smem:$0x0];
	_ =	sdelay $0x2  }
0xbb: {  	s31 =	sshll.u32 s1, $0xD;
	s1 =	sshrl.u32 s1, $0x2  }
0xbc: {  	s3 =	sand.u32 $0x4000, s31;
	s1 =	sadd.s32 s1, s30  }
0xbd: {  	s0 =	sor.u32 s3, s0;
	s1 =	sshll.u32 s1, $0x11  }
0xbe: {  	s0 =	sor.u32 s1, s0  }
0xbf: {  	s0 =	sadd.s32 $0x8F2B, s0  }
0xc0: {  	[sflag:s0] =	ssyncadd.remote.s32 $0x1  }
0xc1: {  	_ =	sfence.sel $0xFFFF  }
0xc2: {  	[dreg:$0x0] =	wrdreg $0xFFFFFFFF;
	(pc) =	sbr.abs _section_cstart, $3  }
0xc3: {  	[dreg:$0x1] =	wrdreg $0xFFFFFFFF  }
0xc4: {  	_ =	task.clear_ibuf [dreg:s9], $0x2FFFF;
	_ =	strace $0x9FFFFFFF  }
0xc5: {  	(tm) =	ssettm $0x7FFFFFFF  }
tec
execute0_lowered:
.L_overlay_start_1:
0x0: {  	(tag) =	ssettag $0x1  }
0x1: {  	s2 =	rddreg [dreg:$0x0]  }
0x2: {  	s3 =	rddreg [dreg:$0x1];
	s0 =	srdreg.scid  }
0x3: {  	s4 =	rddreg [dreg:$0x2];
	s1 =	stileid.u32;
	s5 =	simm.s32 $0x0  }
0x4: {  	s28 =	simm.s32 $0x1;
	s29 =	simm.s32 $0x5;
	s30 =	simm.s32 $0x10000  }
0x5: {  	s31 =	simm.s32 $0x2;
	s12 =	simm.s32 $0x0;
	s0 =	sand.u32 $0x1, s0  }
0x6: {  	s1 =	sshll.u32 s1, $0x12;
	s6 =	sshll.u32 s0, $0x11;
	s0 =	ssub.s32 $0x2, s0  }
0x7: {  	[smem:$0x7FF] =	sst s5;
	s6 =	sor.u32 s6, s1;
	s19 =	sshrl.u32 s0, $0x1  }
0x8: {  	_ =	strace $0x80000047;
	s7 =	sshrl.u32 s6, $0x3;
	s0 =	ssub.s32 s0, s19  }
0x9: {  	s15 =	sor.u32 $0x8000, s6;
	s16 =	sor.u32 $0xA000, s6;
	s17 =	sor.u32 $0xC000, s6  }
0xa: {  	s18 =	sor.u32 $0xE000, s6;
	s20 =	sor.u32 $0x400, s7;
	s8 =	sadd.s32 s2, s7  }
0xb: {  	s21 =	sadd.s32 s3, s7;
	s23 =	sor.u32 $0x800, s7;
	[dreg:$0x4] =	wrdreg s8  }
0xc: {  	s7 =	sor.u32 $0xC00, s7;
	s0 =	smax.u32 s0, $0x1;
	[dreg:$0x5] =	wrdreg s21  }
0xd: {  	s22 =	sadd.s32 s2, s20;
	s1 =	sadd.s32 s3, s20;
	[dreg:$0xc] =	wrdreg s0  }
0xe: {  	s24 =	sadd.s32 s2, s23;
	s25 =	sadd.s32 s2, s7;
	[dreg:$0x6] =	wrdreg s22  }
0xf: {  	s26 =	sadd.s32 s3, s7;
	s0 =	simm.s32 $0x6;
	[dreg:$0x7] =	wrdreg s1  }
.Ltmp0:
0x10: {  	s20 =	simm.s32 $0x3;
	[dreg:$0x8] =	wrdreg s24;
	(pc) =	sbr.rel .LBB2_1-.Ltmp0, $4  }
0x11: {  	s21 =	simm.s32 $0x7;
	s7 =	simm.s32 $0x16000;
	[dreg:$0xa] =	wrdreg s25  }
0x12: {  	s1 =	sadd.s32 s3, s23;
	[dreg:$0xb] =	wrdreg s26;
	s25 =	simm.s32 $0x6000  }
0x13: {  	s26 =	simm.s32 $0xE000;
	s22 =	simm.s32 $0x14000;
	s23 =	simm.s32 $0x4  }
0x14: {  	s24 =	simm.s32 $0x8;
	[dreg:$0x9] =	wrdreg s1;
	s1 =	simm.s32 $0x12000  }
.LBB2_12:
0x15: {  	s8 =	simm.s32 $0x9  }
0x16: {  	_ =	swait.ge [sflag:s8], $0x2000  }
0x17: {  	[sflag:s8] =	ssyncset.done $0x0  }
0x18: {  	s13 =	simm.s32 $0xA;
	[sflag:s8] =	ssyncadd.s32 $0xFFFFE000  }
0x19: {  	_ =	swait.ge [sflag:s13], $0x2000  }
0x1a: {  	[sflag:s13] =	ssyncset.done $0x0  }
0x1b: {  	s14 =	simm.s32 $0xB;
	[sflag:s13] =	ssyncadd.s32 $0xFFFFE000  }
0x1c: {  	_ =	swait.ge [sflag:s14], $0x2000  }
0x1d: {  	[sflag:s14] =	ssyncset.done $0x0  }
0x1e: {  	s9 =	simm.s32 $0xC;
	[sflag:s14] =	ssyncadd.s32 $0xFFFFE000  }
0x1f: {  	_ =	swait.ge [sflag:s9], $0x2000  }
0x20: {  	s12 =	sadd.s32 $0x1, s12;
	s19 =	rddreg [dreg:$0xc]  }
0x21: {  	p0 =	sne.s32 s12, s19  }
.Ltmp1:
0x22: {  	_ = 	snop;
	(pc) =	sbr.rel @!p0 .LBB2_13-.Ltmp1, $3  }
0x23: {  	_ =	sdelay $0x1  }
0x24: {  	[sflag:s9] =	ssyncset.done $0x0  }
0x25: {  	[sflag:s9] =	ssyncadd.s32 $0xFFFFE000  }
.LBB2_1:
0x26: {  	s8 =	rddreg [dreg:$0x4]  }
0x27: {  	[tilespmem:s5], [sflag:$0x1] =	stream.linear.gather [hbm4b:s8+s5], $0x2000, $0x38;
	[tilespmem:$0x18000] =	vst v63  }
0x28: {  	s10 =	rddreg [dreg:$0x5];
	s9 =	simm.s32 $0x8000  }
0x29: {  	[tilespmem:s9], [sflag:$0x5] =	stream.linear.gather [hbm4b:s10+s5], $0x2000, $0x38;
	[tilespmem:$0x18000] =	vst v63  }
0x2a: {  	s11 =	rddreg [dreg:$0x6];
	s13 =	simm.s32 $0x2000  }
0x2b: {  	[tilespmem:s13], [sflag:$0x2] =	stream.linear.gather [hbm4b:s11+s5], $0x2000, $0x38;
	[tilespmem:$0x18000] =	vst v63  }
0x2c: {  	s14 =	rddreg [dreg:$0x7];
	s19 =	simm.s32 $0xA000  }
0x2d: {  	[tilespmem:s19], [sflag:$0x6] =	stream.linear.gather [hbm4b:s14+s5], $0x2000, $0x38;
	[tilespmem:$0x18000] =	vst v63  }
0x2e: {  	s9 =	rddreg [dreg:$0x8];
	s10 =	simm.s32 $0x4000  }
0x2f: {  	[tilespmem:s10], [sflag:$0x3] =	stream.linear.gather [hbm4b:s9+s5], $0x2000, $0x38;
	[tilespmem:$0x18000] =	vst v63  }
0x30: {  	s11 =	rddreg [dreg:$0x9];
	s13 =	simm.s32 $0xC000  }
0x31: {  	[tilespmem:s13], [sflag:$0x7] =	stream.linear.gather [hbm4b:s11+s5], $0x2000, $0x38;
	[tilespmem:$0x18000] =	vst v63  }
0x32: {  	s14 =	rddreg [dreg:$0xa]  }
0x33: {  	[tilespmem:s25], [sflag:$0x4] =	stream.linear.gather [hbm4b:s14+s5], $0x2000, $0x38;
	[tilespmem:$0x18000] =	vst v63  }
0x34: {  	s19 =	rddreg [dreg:$0xb];
	s13 =	simm.s32 $0x0  }
0x35: {  	[tilespmem:s26], [sflag:$0x8] =	stream.linear.gather [hbm4b:s19+s5], $0x2000, $0x38;
	[tilespmem:$0x18000] =	vst v63  }
.LBB2_2:
0x36: {  	_ =	swait.ge [sflag:s28], $0x2000  }
0x37: {  	[sflag:s28] =	ssyncset.done $0x0  }
0x38: {  	[sflag:s28] =	ssyncadd.s32 $0xFFFFE000  }
0x39: {  	_ =	swait.ge [sflag:s29], $0x2000  }
0x3a: {  	p0 =	seq.s32 s13, $0x0;
	[sflag:s29] =	ssyncset.done $0x0  }
0x3b: {  	s8 =	simm.s32 @!p0 $0x9;
	[sflag:s29] =	ssyncadd.s32 $0xFFFFE000  }
0x3c: {  	_ =	swait.ge @!p0 [sflag:s8], $0x2000  }
0x3d: {  	[sflag:s8] =	ssyncset.done @!p0 $0x0  }
0x3e: {  	s10 =	simm.s32 $0x40;
	[sflag:s8] =	ssyncadd.s32 @!p0 $0xFFFFE000  }
0x3f: {  	s19 =	simm.s32 $0x8040;
	v1 =	vld [tilespmem:s10+$0x30]  }
0x40: {  	v2 =	vld [tilespmem:s19+$0x30]  }
0x41: {  	v0 =	vld [tilespmem:s19+$0xFFFFFFC0]  }
0x42: {  	v3 =	vld [tilespmem:s10+$0xFFFFFFD0]  }
0x43: {  	v4 =	vld [tilespmem:s19+$0xFFFFFFD0]  }
0x44: {  	v5 =	vld [tilespmem:s10+$0xFFFFFFE0]  }
0x45: {  	v6 =	vld [tilespmem:s19+$0xFFFFFFE0]  }
0x46: {  	v7 =	vld [tilespmem:s10+$0xFFFFFFF0]  }
0x47: {  	v8 =	vld [tilespmem:s19+$0xFFFFFFF0];
	v1 =	vadd.f32 v2, v1  }
0x48: {  	v9 =	vld [tilespmem:s10+$0x0];
	v2 =	vadd.f32 v4, v3  }
0x49: {  	v10 =	vld [tilespmem:s19+$0x0];
	v3 =	vtrunc.f32 v1  }
0x4a: {  	v5 =	vadd.f32 v6, v5;
	v1 =	vld [tilespmem:s10+$0x10];
	v2 =	vtrunc.f32 v2;
	v4 =	vcvt.f32.s32 v3  }
0x4b: {  	s8 =	simm.s32 $0x10040;
	v3 =	vld [tilespmem:s19+$0x10];
	v6 =	vcvt.f32.s32 v2  }
0x4c: {  	v7 =	vadd.f32 v8, v7;
	v5 =	vtrunc.f32 v5;
	v2 =	vld [tilespmem:s10+$0x20];
	[tilespmem:s8+$0x30] =	vst v4  }
0x4d: {  	v4 =	vld [tilespmem:s19+$0x20];
	[tilespmem:s8+$0xFFFFFFD0] =	vst v6;
	v6 =	vcvt.f32.s32 v5  }
0x4e: {  	s14 =	sshll.u32 s13, $0xF;
	s9 =	simm.s32 $0x0;
	v8 =	vtrunc.f32 v7;
	v7 =	vadd.f32 v10, v9;
	v5 =	vld [tilespmem:s10+$0xFFFFFFC0];
	s10 =	simm.s32 $0xC0  }
.LBB2_3:
0x4f: {  	v9 =	vld [tilespmem:s10+$0x30];
	[tilespmem:s8+$0xFFFFFFE0] =	vst v6;
	v6 =	vcvt.f32.s32 v8;
	s19 =	sadd.s32 $0x80, s19  }
0x50: {  	s9 =	sadd.s32 $0x80, s9;
	v8 =	vld [tilespmem:s19+$0x30];
	v7 =	vtrunc.f32 v7;
	v1 =	vadd.f32 v3, v1  }
0x51: {  	p1 =	slt.u32 s9, $0x1F80;
	v3 =	vld [tilespmem:s19+$0xFFFFFFC0];
	[tilespmem:s8+$0xFFFFFFF0] =	vst v6;
	v6 =	vcvt.f32.s32 v7  }
0x52: {  	v7 =	vld [tilespmem:s10+$0xFFFFFFD0];
	v1 =	vtrunc.f32 v1;
	v2 =	vadd.f32 v4, v2  }
0x53: {  	v4 =	vld [tilespmem:s19+$0xFFFFFFD0];
	v11 =	vadd.f32 v0, v5;
	[tilespmem:s8+$0x0] =	vst v6;
	v1 =	vcvt.f32.s32 v1  }
0x54: {  	v5 =	vld [tilespmem:s10+$0xFFFFFFE0];
	v2 =	vtrunc.f32 v2  }
0x55: {  	v6 =	vld [tilespmem:s19+$0xFFFFFFE0];
	v8 =	vadd.f32 v8, v9;
	v10 =	vtrunc.f32 v11;
	[tilespmem:s8+$0x10] =	vst v1;
	v1 =	vcvt.f32.s32 v2  }
0x56: {  	v2 =	vld [tilespmem:s10+$0xFFFFFFF0];
	v9 =	vcvt.f32.s32 v10;
	v0 =	vmov v3  }
0x57: {  	v10 =	vld [tilespmem:s19+$0xFFFFFFF0];
	v3 =	vtrunc.f32 v8;
	[tilespmem:s8+$0x20] =	vst v1  }
0x58: {  	v1 =	vadd.f32 v4, v7;
	v7 =	vld [tilespmem:s10+$0x0];
	v3 =	vcvt.f32.s32 v3;
	[tilespmem:s8+$0xFFFFFFC0] =	vst v9  }
0x59: {  	s8 =	sadd.s32 $0x80, s8;
	v9 =	vld [tilespmem:s19+$0x0]  }
.Ltmp2:
0x5a: {  	v4 =	vtrunc.f32 v1;
	v5 =	vadd.f32 v6, v5;
	v1 =	vld [tilespmem:s10+$0x10];
	[tilespmem:s8+$0x30] =	vst v3;
	(pc) =	sbr.rel @p1 .LBB2_3-.Ltmp2, $4  }
0x5b: {  	v4 =	vcvt.f32.s32 v4;
	v3 =	vld [tilespmem:s19+$0x10]  }
0x5c: {  	v5 =	vtrunc.f32 v5;
	v8 =	vadd.f32 v10, v2;
	v2 =	vld [tilespmem:s10+$0x20]  }
0x5d: {  	[tilespmem:s8+$0xFFFFFFD0] =	vst v4;
	v6 =	vcvt.f32.s32 v5;
	v4 =	vld [tilespmem:s19+$0x20]  }
0x5e: {  	v5 =	vld [tilespmem:s10+$0xFFFFFFC0];
	v8 =	vtrunc.f32 v8;
	v7 =	vadd.f32 v9, v7;
	s10 =	sadd.s32 $0x80, s10  }
0x5f: {  	_ =	sdelay $0x1  }
0x60: {  	v1 =	vadd.f32 v3, v1  }
0x61: {  	v3 =	vcvt.f32.s32 v8;
	v7 =	vtrunc.f32 v7;
	v2 =	vadd.f32 v4, v2  }
0x62: {  	[tilespmem:s8+$0xFFFFFFE0] =	vst v6;
	v4 =	vcvt.f32.s32 v7;
	v1 =	vtrunc.f32 v1;
	v0 =	vadd.f32 v0, v5  }
0x63: {  	[tilespmem:s8+$0xFFFFFFF0] =	vst v3;
	v1 =	vcvt.f32.s32 v1;
	v2 =	vtrunc.f32 v2  }
0x64: {  	[tilespmem:s8+$0x0] =	vst v4;
	v0 =	vtrunc.f32 v0;
	v2 =	vcvt.f32.s32 v2  }
0x65: {  	s9 =	sor.u32 s6, s14;
	[tilespmem:s8+$0x10] =	vst v1;
	v0 =	vcvt.f32.s32 v0  }
0x66: {  	p1 =	seq.s32 s13, $0x3;
	s19 =	sshrl.u32 s9, $0x3;
	[tilespmem:s8+$0x20] =	vst v2  }
0x67: {  	s11 =	sadd.s32 s4, s19;
	[tilespmem:s8+$0xFFFFFFC0] =	vst v0;
	s8 =	sadd.s32 @!p1 s14, s15  }
0x68: {  	[hbm4b:s11+s5] =	stream.linear.scatter [tilespmem:s30], [sflag:$0x9], $0x2000, $0x38;
	[tilespmem:$0x18000] =	vst v63  }
0x69: {  	s8 =	sshrl.u32 @!p1 s8, $0x3  }
0x6a: {  	s10 =	simm.s32 @!p1 $0x0;
	s9 =	sadd.s32 @!p1 s2, s8  }
0x6b: {  	[tilespmem:s10], [sflag:$0x1] =	stream.linear.gather @!p1 [hbm4b:s9+s10], $0x2000, $0x38;
	[tilespmem:$0x18000] =	vst v63  }
0x6c: {  	s8 =	sadd.s32 @!p1 s3, s8;
	s9 =	simm.s32 @!p1 $0x8000  }
0x6d: {  	[tilespmem:s9], [sflag:$0x5] =	stream.linear.gather @!p1 [hbm4b:s8+s10], $0x2000, $0x38;
	[tilespmem:$0x18000] =	vst v63  }
0x6e: {  	_ =	swait.ge [sflag:s31], $0x2000  }
0x6f: {  	[sflag:s31] =	ssyncset.done $0x0  }
0x70: {  	[sflag:s31] =	ssyncadd.s32 $0xFFFFE000  }
0x71: {  	_ =	swait.ge [sflag:s0], $0x2000  }
0x72: {  	[sflag:s0] =	ssyncset.done $0x0  }
0x73: {  	s8 =	simm.s32 @!p0 $0xA;
	[sflag:s0] =	ssyncadd.s32 $0xFFFFE000  }
0x74: {  	_ =	swait.ge @!p0 [sflag:s8], $0x2000  }
0x75: {  	[sflag:s8] =	ssyncset.done @!p0 $0x0  }
0x76: {  	s11 =	simm.s32 $0x2040;
	[sflag:s8] =	ssyncadd.s32 @!p0 $0xFFFFE000  }
0x77: {  	s8 =	simm.s32 $0xA040;
	v1 =	vld [tilespmem:s11+$0x30]  }
0x78: {  	v2 =	vld [tilespmem:s8+$0x30]  }
0x79: {  	v0 =	vld [tilespmem:s8+$0xFFFFFFC0]  }
0x7a: {  	v3 =	vld [tilespmem:s11+$0xFFFFFFD0]  }
0x7b: {  	v4 =	vld [tilespmem:s8+$0xFFFFFFD0]  }
0x7c: {  	v5 =	vld [tilespmem:s11+$0xFFFFFFE0]  }
0x7d: {  	v6 =	vld [tilespmem:s8+$0xFFFFFFE0]  }
0x7e: {  	v7 =	vld [tilespmem:s11+$0xFFFFFFF0]  }
0x7f: {  	v8 =	vld [tilespmem:s8+$0xFFFFFFF0];
	v1 =	vadd.f32 v2, v1  }
0x80: {  	v9 =	vld [tilespmem:s11+$0x0];
	v2 =	vadd.f32 v4, v3  }
0x81: {  	v10 =	vld [tilespmem:s8+$0x0];
	v3 =	vtrunc.f32 v1  }
0x82: {  	v5 =	vadd.f32 v6, v5;
	v1 =	vld [tilespmem:s11+$0x10];
	v2 =	vtrunc.f32 v2;
	v4 =	vcvt.f32.s32 v3  }
0x83: {  	s9 =	simm.s32 $0x12040;
	v3 =	vld [tilespmem:s8+$0x10];
	v6 =	vcvt.f32.s32 v2  }
0x84: {  	v7 =	vadd.f32 v8, v7;
	v2 =	vld [tilespmem:s11+$0x20];
	[tilespmem:s9+$0x30] =	vst v4;
	v4 =	vtrunc.f32 v5  }
0x85: {  	v5 =	vld [tilespmem:s8+$0x20];
	[tilespmem:s9+$0xFFFFFFD0] =	vst v6;
	v6 =	vcvt.f32.s32 v4  }
0x86: {  	s10 =	simm.s32 $0x0;
	v8 =	vtrunc.f32 v7;
	v7 =	vadd.f32 v10, v9;
	v4 =	vld [tilespmem:s11+$0xFFFFFFC0];
	s11 =	simm.s32 $0x20C0  }
.LBB2_5:
0x87: {  	v9 =	vld [tilespmem:s11+$0x30];
	[tilespmem:s9+$0xFFFFFFE0] =	vst v6;
	v6 =	vcvt.f32.s32 v8;
	s8 =	sadd.s32 $0x80, s8  }
0x88: {  	s10 =	sadd.s32 $0x80, s10;
	v8 =	vld [tilespmem:s8+$0x30];
	v7 =	vtrunc.f32 v7;
	v1 =	vadd.f32 v3, v1  }
0x89: {  	p2 =	slt.u32 s10, $0x1F80;
	v3 =	vld [tilespmem:s8+$0xFFFFFFC0];
	[tilespmem:s9+$0xFFFFFFF0] =	vst v6;
	v6 =	vcvt.f32.s32 v7  }
0x8a: {  	v7 =	vld [tilespmem:s11+$0xFFFFFFD0];
	v1 =	vtrunc.f32 v1;
	v2 =	vadd.f32 v5, v2  }
0x8b: {  	v5 =	vld [tilespmem:s8+$0xFFFFFFD0];
	v11 =	vadd.f32 v0, v4;
	[tilespmem:s9+$0x0] =	vst v6;
	v1 =	vcvt.f32.s32 v1  }
0x8c: {  	v4 =	vld [tilespmem:s11+$0xFFFFFFE0];
	v2 =	vtrunc.f32 v2  }
0x8d: {  	v6 =	vld [tilespmem:s8+$0xFFFFFFE0];
	v8 =	vadd.f32 v8, v9;
	v10 =	vtrunc.f32 v11;
	[tilespmem:s9+$0x10] =	vst v1;
	v1 =	vcvt.f32.s32 v2  }
0x8e: {  	v2 =	vld [tilespmem:s11+$0xFFFFFFF0];
	v9 =	vcvt.f32.s32 v10;
	v0 =	vmov v3  }
0x8f: {  	v10 =	vld [tilespmem:s8+$0xFFFFFFF0];
	v3 =	vtrunc.f32 v8;
	[tilespmem:s9+$0x20] =	vst v1  }
0x90: {  	v1 =	vadd.f32 v5, v7;
	v7 =	vld [tilespmem:s11+$0x0];
	v3 =	vcvt.f32.s32 v3;
	[tilespmem:s9+$0xFFFFFFC0] =	vst v9  }
0x91: {  	s9 =	sadd.s32 $0x80, s9;
	v9 =	vld [tilespmem:s8+$0x0]  }
.Ltmp3:
0x92: {  	v5 =	vtrunc.f32 v1;
	v4 =	vadd.f32 v6, v4;
	v1 =	vld [tilespmem:s11+$0x10];
	[tilespmem:s9+$0x30] =	vst v3;
	(pc) =	sbr.rel @p2 .LBB2_5-.Ltmp3, $4  }
0x93: {  	v5 =	vcvt.f32.s32 v5;
	v3 =	vld [tilespmem:s8+$0x10]  }
0x94: {  	v4 =	vtrunc.f32 v4;
	v8 =	vadd.f32 v10, v2;
	v2 =	vld [tilespmem:s11+$0x20]  }
0x95: {  	[tilespmem:s9+$0xFFFFFFD0] =	vst v5;
	v6 =	vcvt.f32.s32 v4;
	v5 =	vld [tilespmem:s8+$0x20]  }
0x96: {  	v4 =	vld [tilespmem:s11+$0xFFFFFFC0];
	v8 =	vtrunc.f32 v8;
	v7 =	vadd.f32 v9, v7;
	s11 =	sadd.s32 $0x80, s11  }
0x97: {  	_ =	sdelay $0x1  }
0x98: {  	v1 =	vadd.f32 v3, v1  }
0x99: {  	v3 =	vcvt.f32.s32 v8;
	v7 =	vtrunc.f32 v7;
	v2 =	vadd.f32 v5, v2  }
0x9a: {  	[tilespmem:s9+$0xFFFFFFE0] =	vst v6;
	v5 =	vcvt.f32.s32 v7;
	v1 =	vtrunc.f32 v1;
	v0 =	vadd.f32 v0, v4  }
0x9b: {  	[tilespmem:s9+$0xFFFFFFF0] =	vst v3;
	v1 =	vcvt.f32.s32 v1;
	v2 =	vtrunc.f32 v2  }
0x9c: {  	[tilespmem:s9+$0x0] =	vst v5;
	v0 =	vtrunc.f32 v0;
	v2 =	vcvt.f32.s32 v2  }
0x9d: {  	[tilespmem:s9+$0x10] =	vst v1;
	v0 =	vcvt.f32.s32 v0  }
0x9e: {  	s19 =	sadd.s32 s19, s4;
	[tilespmem:s9+$0x20] =	vst v2  }
0x9f: {  	s8 =	sadd.s32 $0x400, s19;
	[tilespmem:s9+$0xFFFFFFC0] =	vst v0  }
0xa0: {  	[hbm4b:s8+s5] =	stream.linear.scatter [tilespmem:s1], [sflag:$0xA], $0x2000, $0x38;
	[tilespmem:$0x18000] =	vst v63  }
0xa1: {  	s8 =	sadd.s32 @!p1 s14, s16  }
0xa2: {  	s8 =	sshrl.u32 @!p1 s8, $0x3  }
0xa3: {  	s10 =	simm.s32 @!p1 $0x0;
	s11 =	simm.s32 @!p1 $0x2000;
	s9 =	sadd.s32 @!p1 s2, s8  }
0xa4: {  	[tilespmem:s11], [sflag:$0x2] =	stream.linear.gather @!p1 [hbm4b:s9+s10], $0x2000, $0x38;
	[tilespmem:$0x18000] =	vst v63  }
0xa5: {  	s8 =	sadd.s32 @!p1 s3, s8;
	s9 =	simm.s32 @!p1 $0xA000  }
0xa6: {  	[tilespmem:s9], [sflag:$0x6] =	stream.linear.gather @!p1 [hbm4b:s8+s10], $0x2000, $0x38;
	[tilespmem:$0x18000] =	vst v63  }
0xa7: {  	_ =	swait.ge [sflag:s20], $0x2000  }
0xa8: {  	[sflag:s20] =	ssyncset.done $0x0  }
0xa9: {  	[sflag:s20] =	ssyncadd.s32 $0xFFFFE000  }
0xaa: {  	_ =	swait.ge [sflag:s21], $0x2000  }
0xab: {  	[sflag:s21] =	ssyncset.done $0x0  }
0xac: {  	s8 =	simm.s32 @!p0 $0xB;
	[sflag:s21] =	ssyncadd.s32 $0xFFFFE000  }
0xad: {  	_ =	swait.ge @!p0 [sflag:s8], $0x2000  }
0xae: {  	[sflag:s8] =	ssyncset.done @!p0 $0x0  }
0xaf: {  	s11 =	simm.s32 $0x4040;
	[sflag:s8] =	ssyncadd.s32 @!p0 $0xFFFFE000  }
0xb0: {  	s8 =	simm.s32 $0xC040;
	v1 =	vld [tilespmem:s11+$0x30]  }
0xb1: {  	v2 =	vld [tilespmem:s8+$0x30]  }
0xb2: {  	v0 =	vld [tilespmem:s8+$0xFFFFFFC0]  }
0xb3: {  	v3 =	vld [tilespmem:s11+$0xFFFFFFD0]  }
0xb4: {  	v4 =	vld [tilespmem:s8+$0xFFFFFFD0]  }
0xb5: {  	v5 =	vld [tilespmem:s11+$0xFFFFFFE0]  }
0xb6: {  	v6 =	vld [tilespmem:s8+$0xFFFFFFE0]  }
0xb7: {  	v7 =	vld [tilespmem:s11+$0xFFFFFFF0]  }
0xb8: {  	v8 =	vld [tilespmem:s8+$0xFFFFFFF0];
	v1 =	vadd.f32 v2, v1  }
0xb9: {  	v9 =	vld [tilespmem:s11+$0x0];
	v2 =	vadd.f32 v4, v3  }
0xba: {  	v10 =	vld [tilespmem:s8+$0x0];
	v3 =	vtrunc.f32 v1  }
0xbb: {  	v5 =	vadd.f32 v6, v5;
	v1 =	vld [tilespmem:s11+$0x10];
	v2 =	vtrunc.f32 v2;
	v4 =	vcvt.f32.s32 v3  }
0xbc: {  	s9 =	simm.s32 $0x14040;
	v3 =	vld [tilespmem:s8+$0x10];
	v6 =	vcvt.f32.s32 v2  }
0xbd: {  	v7 =	vadd.f32 v8, v7;
	v2 =	vld [tilespmem:s11+$0x20];
	[tilespmem:s9+$0x30] =	vst v4;
	v4 =	vtrunc.f32 v5  }
0xbe: {  	v5 =	vld [tilespmem:s8+$0x20];
	[tilespmem:s9+$0xFFFFFFD0] =	vst v6;
	v6 =	vcvt.f32.s32 v4  }
0xbf: {  	s10 =	simm.s32 $0x0;
	v8 =	vtrunc.f32 v7;
	v7 =	vadd.f32 v10, v9;
	v4 =	vld [tilespmem:s11+$0xFFFFFFC0];
	s11 =	simm.s32 $0x40C0  }
.LBB2_7:
0xc0: {  	v9 =	vld [tilespmem:s11+$0x30];
	[tilespmem:s9+$0xFFFFFFE0] =	vst v6;
	v6 =	vcvt.f32.s32 v8;
	s8 =	sadd.s32 $0x80, s8  }
0xc1: {  	s10 =	sadd.s32 $0x80, s10;
	v8 =	vld [tilespmem:s8+$0x30];
	v7 =	vtrunc.f32 v7;
	v1 =	vadd.f32 v3, v1  }
0xc2: {  	p2 =	slt.u32 s10, $0x1F80;
	v3 =	vld [tilespmem:s8+$0xFFFFFFC0];
	[tilespmem:s9+$0xFFFFFFF0] =	vst v6;
	v6 =	vcvt.f32.s32 v7  }
0xc3: {  	v7 =	vld [tilespmem:s11+$0xFFFFFFD0];
	v1 =	vtrunc.f32 v1;
	v2 =	vadd.f32 v5, v2  }
0xc4: {  	v5 =	vld [tilespmem:s8+$0xFFFFFFD0];
	v11 =	vadd.f32 v0, v4;
	[tilespmem:s9+$0x0] =	vst v6;
	v1 =	vcvt.f32.s32 v1  }
0xc5: {  	v4 =	vld [tilespmem:s11+$0xFFFFFFE0];
	v2 =	vtrunc.f32 v2  }
0xc6: {  	v6 =	vld [tilespmem:s8+$0xFFFFFFE0];
	v8 =	vadd.f32 v8, v9;
	v10 =	vtrunc.f32 v11;
	[tilespmem:s9+$0x10] =	vst v1;
	v1 =	vcvt.f32.s32 v2  }
0xc7: {  	v2 =	vld [tilespmem:s11+$0xFFFFFFF0];
	v9 =	vcvt.f32.s32 v10;
	v0 =	vmov v3  }
0xc8: {  	v10 =	vld [tilespmem:s8+$0xFFFFFFF0];
	v3 =	vtrunc.f32 v8;
	[tilespmem:s9+$0x20] =	vst v1  }
0xc9: {  	v1 =	vadd.f32 v5, v7;
	v7 =	vld [tilespmem:s11+$0x0];
	v3 =	vcvt.f32.s32 v3;
	[tilespmem:s9+$0xFFFFFFC0] =	vst v9  }
0xca: {  	s9 =	sadd.s32 $0x80, s9;
	v9 =	vld [tilespmem:s8+$0x0]  }
.Ltmp4:
0xcb: {  	v5 =	vtrunc.f32 v1;
	v4 =	vadd.f32 v6, v4;
	v1 =	vld [tilespmem:s11+$0x10];
	[tilespmem:s9+$0x30] =	vst v3;
	(pc) =	sbr.rel @p2 .LBB2_7-.Ltmp4, $4  }
0xcc: {  	v5 =	vcvt.f32.s32 v5;
	v3 =	vld [tilespmem:s8+$0x10]  }
0xcd: {  	v4 =	vtrunc.f32 v4;
	v8 =	vadd.f32 v10, v2;
	v2 =	vld [tilespmem:s11+$0x20]  }
0xce: {  	[tilespmem:s9+$0xFFFFFFD0] =	vst v5;
	v6 =	vcvt.f32.s32 v4;
	v5 =	vld [tilespmem:s8+$0x20]  }
0xcf: {  	v4 =	vld [tilespmem:s11+$0xFFFFFFC0];
	v8 =	vtrunc.f32 v8;
	v7 =	vadd.f32 v9, v7;
	s11 =	sadd.s32 $0x80, s11  }
0xd0: {  	_ =	sdelay $0x1  }
0xd1: {  	v1 =	vadd.f32 v3, v1  }
0xd2: {  	v3 =	vcvt.f32.s32 v8;
	v7 =	vtrunc.f32 v7;
	v2 =	vadd.f32 v5, v2  }
0xd3: {  	[tilespmem:s9+$0xFFFFFFE0] =	vst v6;
	v5 =	vcvt.f32.s32 v7;
	v1 =	vtrunc.f32 v1;
	v0 =	vadd.f32 v0, v4  }
0xd4: {  	[tilespmem:s9+$0xFFFFFFF0] =	vst v3;
	v1 =	vcvt.f32.s32 v1;
	v2 =	vtrunc.f32 v2  }
0xd5: {  	[tilespmem:s9+$0x0] =	vst v5;
	v0 =	vtrunc.f32 v0;
	v2 =	vcvt.f32.s32 v2  }
0xd6: {  	[tilespmem:s9+$0x10] =	vst v1;
	v0 =	vcvt.f32.s32 v0  }
0xd7: {  	[tilespmem:s9+$0x20] =	vst v2  }
0xd8: {  	s8 =	sadd.s32 $0x800, s19;
	[tilespmem:s9+$0xFFFFFFC0] =	vst v0  }
0xd9: {  	[hbm4b:s8+s5] =	stream.linear.scatter [tilespmem:s22], [sflag:$0xB], $0x2000, $0x38;
	[tilespmem:$0x18000] =	vst v63  }
0xda: {  	s8 =	sadd.s32 @!p1 s14, s17  }
0xdb: {  	s8 =	sshrl.u32 @!p1 s8, $0x3  }
0xdc: {  	s10 =	simm.s32 @!p1 $0x0;
	s11 =	simm.s32 @!p1 $0x4000;
	s9 =	sadd.s32 @!p1 s2, s8  }
0xdd: {  	[tilespmem:s11], [sflag:$0x3] =	stream.linear.gather @!p1 [hbm4b:s9+s10], $0x2000, $0x38;
	[tilespmem:$0x18000] =	vst v63  }
0xde: {  	s8 =	sadd.s32 @!p1 s3, s8;
	s9 =	simm.s32 @!p1 $0xC000  }
0xdf: {  	[tilespmem:s9], [sflag:$0x7] =	stream.linear.gather @!p1 [hbm4b:s8+s10], $0x2000, $0x38;
	[tilespmem:$0x18000] =	vst v63  }
0xe0: {  	_ =	swait.ge [sflag:s23], $0x2000  }
0xe1: {  	[sflag:s23] =	ssyncset.done $0x0  }
0xe2: {  	[sflag:s23] =	ssyncadd.s32 $0xFFFFE000  }
0xe3: {  	_ =	swait.ge [sflag:s24], $0x2000  }
0xe4: {  	[sflag:s24] =	ssyncset.done $0x0  }
0xe5: {  	s8 =	simm.s32 @!p0 $0xC;
	[sflag:s24] =	ssyncadd.s32 $0xFFFFE000  }
0xe6: {  	_ =	swait.ge @!p0 [sflag:s8], $0x2000  }
0xe7: {  	[sflag:s8] =	ssyncset.done @!p0 $0x0  }
0xe8: {  	s11 =	simm.s32 $0x6040;
	[sflag:s8] =	ssyncadd.s32 @!p0 $0xFFFFE000  }
0xe9: {  	s8 =	simm.s32 $0xE040;
	v1 =	vld [tilespmem:s11+$0x30]  }
0xea: {  	v2 =	vld [tilespmem:s8+$0x30]  }
0xeb: {  	v0 =	vld [tilespmem:s8+$0xFFFFFFC0]  }
0xec: {  	v3 =	vld [tilespmem:s11+$0xFFFFFFD0]  }
0xed: {  	v4 =	vld [tilespmem:s8+$0xFFFFFFD0]  }
0xee: {  	v5 =	vld [tilespmem:s11+$0xFFFFFFE0]  }
0xef: {  	v6 =	vld [tilespmem:s8+$0xFFFFFFE0]  }
0xf0: {  	v7 =	vld [tilespmem:s11+$0xFFFFFFF0]  }
0xf1: {  	v8 =	vld [tilespmem:s8+$0xFFFFFFF0];
	v1 =	vadd.f32 v2, v1  }
0xf2: {  	v9 =	vld [tilespmem:s11+$0x0];
	v2 =	vadd.f32 v4, v3  }
0xf3: {  	v10 =	vld [tilespmem:s8+$0x0];
	v3 =	vtrunc.f32 v1  }
0xf4: {  	v5 =	vadd.f32 v6, v5;
	v1 =	vld [tilespmem:s11+$0x10];
	v2 =	vtrunc.f32 v2;
	v4 =	vcvt.f32.s32 v3  }
0xf5: {  	s9 =	simm.s32 $0x16040;
	v3 =	vld [tilespmem:s8+$0x10];
	v6 =	vcvt.f32.s32 v2  }
0xf6: {  	v7 =	vadd.f32 v8, v7;
	v2 =	vld [tilespmem:s11+$0x20];
	[tilespmem:s9+$0x30] =	vst v4;
	v4 =	vtrunc.f32 v5  }
0xf7: {  	v5 =	vld [tilespmem:s8+$0x20];
	[tilespmem:s9+$0xFFFFFFD0] =	vst v6;
	v6 =	vcvt.f32.s32 v4  }
0xf8: {  	s10 =	simm.s32 $0x0;
	v8 =	vtrunc.f32 v7;
	v7 =	vadd.f32 v10, v9;
	v4 =	vld [tilespmem:s11+$0xFFFFFFC0];
	s11 =	simm.s32 $0x60C0  }
.LBB2_9:
0xf9: {  	v9 =	vld [tilespmem:s11+$0x30];
	[tilespmem:s9+$0xFFFFFFE0] =	vst v6;
	v6 =	vcvt.f32.s32 v8;
	s8 =	sadd.s32 $0x80, s8  }
0xfa: {  	s10 =	sadd.s32 $0x80, s10;
	v8 =	vld [tilespmem:s8+$0x30];
	v7 =	vtrunc.f32 v7;
	v1 =	vadd.f32 v3, v1  }
0xfb: {  	p0 =	slt.u32 s10, $0x1F80;
	v3 =	vld [tilespmem:s8+$0xFFFFFFC0];
	[tilespmem:s9+$0xFFFFFFF0] =	vst v6;
	v6 =	vcvt.f32.s32 v7  }
0xfc: {  	v7 =	vld [tilespmem:s11+$0xFFFFFFD0];
	v1 =	vtrunc.f32 v1;
	v2 =	vadd.f32 v5, v2  }
0xfd: {  	v5 =	vld [tilespmem:s8+$0xFFFFFFD0];
	v11 =	vadd.f32 v0, v4;
	[tilespmem:s9+$0x0] =	vst v6;
	v1 =	vcvt.f32.s32 v1  }
0xfe: {  	v4 =	vld [tilespmem:s11+$0xFFFFFFE0];
	v2 =	vtrunc.f32 v2  }
0xff: {  	v6 =	vld [tilespmem:s8+$0xFFFFFFE0];
	v8 =	vadd.f32 v8, v9;
	v10 =	vtrunc.f32 v11;
	[tilespmem:s9+$0x10] =	vst v1;
	v1 =	vcvt.f32.s32 v2  }
0x100: {  	v2 =	vld [tilespmem:s11+$0xFFFFFFF0];
	v9 =	vcvt.f32.s32 v10;
	v0 =	vmov v3  }
0x101: {  	v10 =	vld [tilespmem:s8+$0xFFFFFFF0];
	v3 =	vtrunc.f32 v8;
	[tilespmem:s9+$0x20] =	vst v1  }
0x102: {  	v1 =	vadd.f32 v5, v7;
	v7 =	vld [tilespmem:s11+$0x0];
	v3 =	vcvt.f32.s32 v3;
	[tilespmem:s9+$0xFFFFFFC0] =	vst v9  }
0x103: {  	s9 =	sadd.s32 $0x80, s9;
	v9 =	vld [tilespmem:s8+$0x0]  }
.Ltmp5:
0x104: {  	v5 =	vtrunc.f32 v1;
	v4 =	vadd.f32 v6, v4;
	v1 =	vld [tilespmem:s11+$0x10];
	[tilespmem:s9+$0x30] =	vst v3;
	(pc) =	sbr.rel @p0 .LBB2_9-.Ltmp5, $4  }
0x105: {  	v5 =	vcvt.f32.s32 v5;
	v3 =	vld [tilespmem:s8+$0x10]  }
0x106: {  	v4 =	vtrunc.f32 v4;
	v8 =	vadd.f32 v10, v2;
	v2 =	vld [tilespmem:s11+$0x20]  }
0x107: {  	[tilespmem:s9+$0xFFFFFFD0] =	vst v5;
	v6 =	vcvt.f32.s32 v4;
	v5 =	vld [tilespmem:s8+$0x20]  }
0x108: {  	v4 =	vld [tilespmem:s11+$0xFFFFFFC0];
	v8 =	vtrunc.f32 v8;
	v7 =	vadd.f32 v9, v7;
	s11 =	sadd.s32 $0x80, s11  }
0x109: {  	_ =	sdelay $0x1  }
0x10a: {  	v1 =	vadd.f32 v3, v1  }
0x10b: {  	v62 =	vcvt.f32.s32 v8;
	v7 =	vtrunc.f32 v7;
	v2 =	vadd.f32 v5, v2  }
0x10c: {  	[tilespmem:s9+$0xFFFFFFE0] =	vst v6;
	v63 =	vcvt.f32.s32 v7;
	v1 =	vtrunc.f32 v1;
	v0 =	vadd.f32 v0, v4  }
0x10d: {  	[tilespmem:s9+$0xFFFFFFF0] =	vst v62;
	v1 =	vcvt.f32.s32 v1;
	v2 =	vtrunc.f32 v2  }
.Ltmp6:
0x10e: {  	[tilespmem:s9+$0x0] =	vst v63;
	v0 =	vtrunc.f32 v0;
	v2 =	vcvt.f32.s32 v2;
	(pc) =	sbr.rel @p1 .LBB2_12-.Ltmp6, $4  }
0x10f: {  	[tilespmem:s9+$0x10] =	vst v1;
	v0 =	vcvt.f32.s32 v0  }
0x110: {  	[tilespmem:s9+$0x20] =	vst v2  }
0x111: {  	s8 =	sadd.s32 $0xC00, s19;
	[tilespmem:s9+$0xFFFFFFC0] =	vst v0  }
0x112: {  	[hbm4b:s8+s5] =	stream.linear.scatter [tilespmem:s7], [sflag:$0xC], $0x2000, $0x38;
	[tilespmem:$0x18000] =	vst v63  }
0x113: {  	s8 =	sadd.s32 s14, s18  }
.Ltmp7:
0x114: {  	s8 =	sshrl.u32 s8, $0x3;
	(pc) =	sbr.rel .LBB2_2-.Ltmp7, $4  }
0x115: {  	s9 =	sadd.s32 s2, s8  }
0x116: {  	[tilespmem:s25], [sflag:$0x4] =	stream.linear.gather [hbm4b:s9+s5], $0x2000, $0x38;
	[tilespmem:$0x18000] =	vst v63  }
0x117: {  	s13 =	sadd.s32 $0x1, s13;
	s8 =	sadd.s32 s3, s8  }
0x118: {  	[tilespmem:s26], [sflag:$0x8] =	stream.linear.gather [hbm4b:s8+s5], $0x2000, $0x38;
	[tilespmem:$0x18000] =	vst v63  }
.LBB2_13:
0x119: {  	_ =	sfence.sel $0x180000  }
0x11a: {  	[bflag:$0x0] =	sbarrier.arrive $0xFFFF  }
0x11b: {  	_ =	strace $0x90000047  }
0x11c: {  	s0 =	stileid.u32;
	[bflag:$0x2] =	sbarrier.arrive $0xFFFF  }
0x11d: {  	p0 =	sne.s32 s0, $0x0;
	s0 =	rddreg [dreg:$0x3]  }
0x11e: {  	s0 =	sadd.s32 @!p0 $0x100000, s0  }
0x11f: {  	[sflag:s0] =	ssyncadd.tile.s32 @!p0 $0x1;
	_ =	shalt  }
.Lfunc_end2:
_tile_overlayer_lowered:
.L_overlay_start_2:
0x120: {  	(tag) =	ssettag $0x2  }
0x121: {  	s0 =	rddreg [dreg:$0x0];
	s2 =	stileid.u32  }
0x122: {  	s1 =	rddreg [dreg:$0x1];
	p0 =	sne.s32 s2, $0x0  }
0x123: {  	s3 =	rddreg [dreg:$0x2];
	[bflag:$0x3] =	sbarrier.arrive $0xFFFF;
	s2 =	simm.s32 @!p0 $0x1C0D  }
0x124: {  	[timem:s3], [sflag:s2] =	dma.local @!p0 [hbm:s0], s1  }
0x125: {  	s0 =	simm.s32 @!p0 $0xD  }
0x126: {  	_ =	swait.ge @!p0 [sflag:s0], s1  }
0x127: {  	s1 =	ssub.s32 @!p0 $0x0, s1;
	[sflag:s0] =	ssyncset.done @!p0 $0x0  }
0x128: {  	[sflag:s0] =	ssyncadd.s32 @!p0 s1  }
0x129: {  	[bflag:$0x3] =	sbarrier.arrive $0xFFFF  }
0x12a: {  	_ =	shalt  }

</sc_bundles>
